<compile_context>
chip_gen: v7x
topology: tpu7x:2x2x1
jax: 0.10.2.dev20260603
libtpu: 0.0.44.dev20260713+nightly
codegen_flags: <defaults>
</compile_context>

<pallas_src>
import functools

import jax
import jax.numpy as jnp
from jax import lax
from jax.experimental import pallas as pl
from jax.experimental.pallas import tpu as pltpu
from jax.experimental.pallas import tpu_sc as plsc

_NBUF = 3
_CHUNK = 40


def _chunk_schedule(rows):
    sched = []
    off = 0
    while off < rows:
        size = min(_CHUNK, rows - off)
        sched.append((off, size))
        off += size
    return sched


def _gather_call(idx, table, rows_per_w, nc, ns):
    n_tokens = nc * ns * rows_per_w
    d = table.shape[1]
    sched = _chunk_schedule(rows_per_w)
    n_steps = len(sched)
    mesh = plsc.VectorSubcoreMesh(core_axis_name="c", subcore_axis_name="s")

    @functools.partial(
        pl.kernel,
        mesh=mesh,
        out_type=jax.ShapeDtypeStruct((n_tokens, d), table.dtype),
        scratch_types=[
            pltpu.VMEM((rows_per_w,), jnp.int32),
            pltpu.VMEM((_NBUF, _CHUNK, d), table.dtype),
        ]
        + [pltpu.SemaphoreType.DMA] * (2 * _NBUF),
    )
    def run(idx_hbm, table_hbm, out_hbm, idx_v, bufs, *sems):
        wid = lax.axis_index("s") * nc + lax.axis_index("c")
        base = wid * rows_per_w
        gsems = sems[:_NBUF]
        ssems = sems[_NBUF:]

        pltpu.sync_copy(idx_hbm.at[wid], idx_v)

        def gather_copy(c):
            b = c % _NBUF
            off, size = sched[c]
            return pltpu.make_async_copy(
                table_hbm.at[idx_v.at[pl.ds(off, size)]],
                bufs.at[b, pl.ds(0, size)],
                gsems[b],
            )

        def out_copy(c):
            b = c % _NBUF
            off, size = sched[c]
            return pltpu.make_async_copy(
                bufs.at[b, pl.ds(0, size)],
                out_hbm.at[pl.ds(base + off, size)],
                ssems[b],
            )

        for c in range(min(_NBUF - 1, n_steps)):
            gather_copy(c).start()
        for c in range(n_steps):
            if c + _NBUF - 1 < n_steps:
                if c - 1 >= 0:
                    out_copy(c - 1).wait()
                gather_copy(c + _NBUF - 1).start()
            gather_copy(c).wait()
            out_copy(c).start()
        for c in range(max(0, n_steps - _NBUF), n_steps):
            out_copy(c).wait()

    return run(idx, table)


def kernel(tokens, W_E):
    b, s = tokens.shape
    v, d = W_E.shape
    n = b * s
    info = plsc.get_sparse_core_info()
    nc, ns = info.num_cores, info.num_subcores
    nw = nc * ns
    rows_per_w = n // nw
    idx = tokens.reshape(nw, rows_per_w)
    out = _gather_call(idx, W_E, rows_per_w, nc, ns)
    return out.reshape(b, s, d)

# --- scband reference (transcript-rebuilt; emitter-appended) ---
"""Pipeline reference for scband-patch-embed-41274635715237 (READ-ONLY COPY).

The authoritative reference and input builder live on the scoring server;
editing this copy changes nothing except your own understanding.
"""

import jax, jax.numpy as jnp
import numpy as np

VOCAB = 100000
D_MODEL = 1024
BATCH = 4
SEQ = 4096


def setup_inputs(seed: int = 0) -> dict:
    key = jax.random.key(seed)
    k_tok, k_w = jax.random.split(key)
    tokens = jax.random.randint(k_tok, (BATCH, SEQ), 0, VOCAB, dtype=jnp.int32)
    # Learned embedding table W_E: [d_vocab + additional_tokens, d_model]
    W_E = jax.random.normal(k_w, (VOCAB, D_MODEL), dtype=jnp.float32) * 0.02
    return {"tokens": tokens, "W_E": W_E}


def reference(tokens, W_E):
    # PatchEmbed.forward with post_embedding_ln=False: W_E[tokens, :]
    return jnp.take(W_E, tokens, axis=0)

if __name__ == "__main__":
    import jax
    _d = setup_inputs()
    print(jax.jit(kernel)(*tuple(_d.values())))

</pallas_src>

<mosaic_0001>
#map = affine_map<(d0, d1) -> (0, 0)>
module attributes {stable_mosaic.version = 14 : i64} {
  func.func @run(%arg0: i32, %arg1: i32, %arg2: memref<32x512xi32, #tpu.memory_space<hbm>>, %arg3: memref<100000x1024xf32, #tpu.memory_space<hbm>>, %arg4: memref<16384x1024xf32, #tpu.memory_space<hbm>>, %arg5: memref<512xi32, #tpu.memory_space<vmem>>, %arg6: memref<3x40x1024xf32, #tpu.memory_space<vmem>>, %arg7: memref<!tpu.dma_semaphore, #tpu.memory_space<semaphore_mem>>, %arg8: memref<!tpu.dma_semaphore, #tpu.memory_space<semaphore_mem>>, %arg9: memref<!tpu.dma_semaphore, #tpu.memory_space<semaphore_mem>>, %arg10: memref<!tpu.dma_semaphore, #tpu.memory_space<semaphore_mem>>, %arg11: memref<!tpu.dma_semaphore, #tpu.memory_space<semaphore_mem>>, %arg12: memref<!tpu.dma_semaphore, #tpu.memory_space<semaphore_mem>>) attributes {dimension_semantics = [#tpu.dimension_semantics<core_parallel>, #tpu.dimension_semantics<subcore_parallel>], iteration_bounds = array<i64: 2, 16>, scalar_prefetch = 0 : i64, scratch_operands = 8 : i64, tpu.core_type = #tpu.core_type<sc_vector_subcore>, window_params = [{transform_indices = #map}, {transform_indices = #map}, {transform_indices = #map}]} {
    %mul3A = arith.constant 2 : i32
    %mul3A_0 = arith.muli %arg1, %mul3A : i32
    %add3A = arith.addi %mul3A_0, %arg0 : i32
    %mul3A_1 = arith.constant 512 : i32
    %mul3A_2 = arith.muli %add3A, %mul3A_1 : i32
    "tpu.region"() ({
      %run_scoped3A = tpu.sem_alloc : memref<!tpu.dma_semaphore, #tpu.memory_space<semaphore_mem>>
      %dma_start3A_651 = arith.constant 0 : i32
      %dma_start3A_652 = tpu.memref_slice %arg2[%add3A, %dma_start3A_651] : memref<32x512xi32, #tpu.memory_space<hbm>> -> memref<1x512xi32, #tpu.memory_space<hbm>>
      %dma_start3A_653 = tpu.memref_squeeze %dma_start3A_652 : memref<1x512xi32, #tpu.memory_space<hbm>> -> memref<512xi32, #tpu.memory_space<hbm>>
      %dma_start3A_654 = arith.constant 0 : i32
      %dma_start3A_655 = tpu.memref_slice %arg2[%add3A, %dma_start3A_654] : memref<32x512xi32, #tpu.memory_space<hbm>> -> memref<1x512xi32, #tpu.memory_space<hbm>>
      %dma_start3A_656 = tpu.memref_squeeze %dma_start3A_655 : memref<1x512xi32, #tpu.memory_space<hbm>> -> memref<512xi32, #tpu.memory_space<hbm>>
      tpu.enqueue_dma source(%dma_start3A_656 : memref<512xi32, #tpu.memory_space<hbm>>) target(%arg5 : memref<512xi32, #tpu.memory_space<vmem>>) target_semaphore(%run_scoped3A : memref<!tpu.dma_semaphore, #tpu.memory_space<semaphore_mem>>)
      %dma_wait3A_657 = arith.constant 0 : i32
      %dma_wait3A_658 = tpu.memref_slice %arg2[%add3A, %dma_wait3A_657] : memref<32x512xi32, #tpu.memory_space<hbm>> -> memref<1x512xi32, #tpu.memory_space<hbm>>
      %dma_wait3A_659 = tpu.memref_squeeze %dma_wait3A_658 : memref<1x512xi32, #tpu.memory_space<hbm>> -> memref<512xi32, #tpu.memory_space<hbm>>
      %dma_wait3A_660 = arith.constant 0 : i32
      %dma_wait3A_661 = tpu.memref_slice %arg2[%add3A, %dma_wait3A_660] : memref<32x512xi32, #tpu.memory_space<hbm>> -> memref<1x512xi32, #tpu.memory_space<hbm>>
      %dma_wait3A_662 = tpu.memref_squeeze %dma_wait3A_661 : memref<1x512xi32, #tpu.memory_space<hbm>> -> memref<512xi32, #tpu.memory_space<hbm>>
      tpu.wait_dma2 semaphore(%run_scoped3A : memref<!tpu.dma_semaphore, #tpu.memory_space<semaphore_mem>>) src(%dma_wait3A_662 : memref<512xi32, #tpu.memory_space<hbm>>) dst(%arg5 : memref<512xi32, #tpu.memory_space<vmem>>)
      tpu.yield
    }) : () -> ()
    %dma_start3A = arith.constant 0 : i32
    %dma_start3A_3 = arith.constant 0 : i32
    %dma_start3A_4 = arith.constant 0 : i32
    %dma_start3A_5 = tpu.memref_slice %arg6[%dma_start3A, %dma_start3A_3, %dma_start3A_4] : memref<3x40x1024xf32, #tpu.memory_space<vmem>> -> memref<1x40x1024xf32, #tpu.memory_space<vmem>>
    %dma_start3A_6 = tpu.memref_squeeze %dma_start3A_5 : memref<1x40x1024xf32, #tpu.memory_space<vmem>> -> memref<40x1024xf32, #tpu.memory_space<vmem>>
    %dma_start3A_7 = arith.constant 0 : i32
    %dma_start3A_8 = tpu.memref_slice %arg5[%dma_start3A_7] : memref<512xi32, #tpu.memory_space<vmem>> -> memref<40xi32, #tpu.memory_space<vmem>>
    %dma_start3A_9 = arith.constant 0 : i32
    %dma_start3A_10 = arith.constant 0 : i32
    %dma_start3A_11 = tpu.memref_slice %arg3[%dma_start3A_9, %dma_start3A_10] : memref<100000x1024xf32, #tpu.memory_space<hbm>> -> memref<100000x1024xf32, #tpu.memory_space<hbm>>
    tpu.enqueue_indirect_dma source(%dma_start3A_11 : memref<100000x1024xf32, #tpu.memory_space<hbm>>) target(%dma_start3A_6 : memref<40x1024xf32, #tpu.memory_space<vmem>>) offsets(%dma_start3A_8 : memref<40xi32, #tpu.memory_space<vmem>>) semaphore(%arg7 : memref<!tpu.dma_semaphore, #tpu.memory_space<semaphore_mem>>)
    %dma_start3A_12 = arith.constant 1 : i32
    %dma_start3A_13 = arith.constant 0 : i32
    %dma_start3A_14 = arith.constant 0 : i32
    %dma_start3A_15 = tpu.memref_slice %arg6[%dma_start3A_12, %dma_start3A_13, %dma_start3A_14] : memref<3x40x1024xf32, #tpu.memory_space<vmem>> -> memref<1x40x1024xf32, #tpu.memory_space<vmem>>
    %dma_start3A_16 = tpu.memref_squeeze %dma_start3A_15 : memref<1x40x1024xf32, #tpu.memory_space<vmem>> -> memref<40x1024xf32, #tpu.memory_space<vmem>>
    %dma_start3A_17 = arith.constant 40 : i32
    %dma_start3A_18 = tpu.memref_slice %arg5[%dma_start3A_17] : memref<512xi32, #tpu.memory_space<vmem>> -> memref<40xi32, #tpu.memory_space<vmem>>
    %dma_start3A_19 = arith.constant 0 : i32
    %dma_start3A_20 = arith.constant 0 : i32
    %dma_start3A_21 = tpu.memref_slice %arg3[%dma_start3A_19, %dma_start3A_20] : memref<100000x1024xf32, #tpu.memory_space<hbm>> -> memref<100000x1024xf32, #tpu.memory_space<hbm>>
    tpu.enqueue_indirect_dma source(%dma_start3A_21 : memref<100000x1024xf32, #tpu.memory_space<hbm>>) target(%dma_start3A_16 : memref<40x1024xf32, #tpu.memory_space<vmem>>) offsets(%dma_start3A_18 : memref<40xi32, #tpu.memory_space<vmem>>) semaphore(%arg8 : memref<!tpu.dma_semaphore, #tpu.memory_space<semaphore_mem>>)
    %dma_start3A_22 = arith.constant 2 : i32
    %dma_start3A_23 = arith.constant 0 : i32
    %dma_start3A_24 = arith.constant 0 : i32
    %dma_start3A_25 = tpu.memref_slice %arg6[%dma_start3A_22, %dma_start3A_23, %dma_start3A_24] : memref<3x40x1024xf32, #tpu.memory_space<vmem>> -> memref<1x40x1024xf32, #tpu.memory_space<vmem>>
    %dma_start3A_26 = tpu.memref_squeeze %dma_start3A_25 : memref<1x40x1024xf32, #tpu.memory_space<vmem>> -> memref<40x1024xf32, #tpu.memory_space<vmem>>
    %dma_start3A_27 = arith.constant 80 : i32
    %dma_start3A_28 = tpu.memref_slice %arg5[%dma_start3A_27] : memref<512xi32, #tpu.memory_space<vmem>> -> memref<40xi32, #tpu.memory_space<vmem>>
    %dma_start3A_29 = arith.constant 0 : i32
    %dma_start3A_30 = arith.constant 0 : i32
    %dma_start3A_31 = tpu.memref_slice %arg3[%dma_start3A_29, %dma_start3A_30] : memref<100000x1024xf32, #tpu.memory_space<hbm>> -> memref<100000x1024xf32, #tpu.memory_space<hbm>>
    tpu.enqueue_indirect_dma source(%dma_start3A_31 : memref<100000x1024xf32, #tpu.memory_space<hbm>>) target(%dma_start3A_26 : memref<40x1024xf32, #tpu.memory_space<vmem>>) offsets(%dma_start3A_28 : memref<40xi32, #tpu.memory_space<vmem>>) semaphore(%arg9 : memref<!tpu.dma_semaphore, #tpu.memory_space<semaphore_mem>>)
    %dma_wait3A = arith.constant 0 : i32
    %dma_wait3A_32 = arith.constant 0 : i32
    %dma_wait3A_33 = arith.constant 0 : i32
    %dma_wait3A_34 = tpu.memref_slice %arg6[%dma_wait3A, %dma_wait3A_32, %dma_wait3A_33] : memref<3x40x1024xf32, #tpu.memory_space<vmem>> -> memref<1x40x1024xf32, #tpu.memory_space<vmem>>
    %dma_wait3A_35 = tpu.memref_squeeze %dma_wait3A_34 : memref<1x40x1024xf32, #tpu.memory_space<vmem>> -> memref<40x1024xf32, #tpu.memory_space<vmem>>
    %dma_wait3A_36 = arith.constant 0 : i32
    %dma_wait3A_37 = tpu.memref_slice %arg5[%dma_wait3A_36] : memref<512xi32, #tpu.memory_space<vmem>> -> memref<40xi32, #tpu.memory_space<vmem>>
    %dma_wait3A_38 = arith.constant 0 : i32
    %dma_wait3A_39 = arith.constant 0 : i32
    %dma_wait3A_40 = tpu.memref_slice %arg3[%dma_wait3A_38, %dma_wait3A_39] : memref<100000x1024xf32, #tpu.memory_space<hbm>> -> memref<100000x1024xf32, #tpu.memory_space<hbm>>
    tpu.wait_indirect_dma semaphore(%arg7 : memref<!tpu.dma_semaphore, #tpu.memory_space<semaphore_mem>>) src(%dma_wait3A_40 : memref<100000x1024xf32, #tpu.memory_space<hbm>>) dst(%dma_wait3A_35 : memref<40x1024xf32, #tpu.memory_space<vmem>>)
    %add3A_41 = arith.constant 0 : i32
    %add3A_42 = arith.addi %mul3A_2, %add3A_41 : i32
    %dma_start3A_43 = arith.constant 0 : i32
    %dma_start3A_44 = arith.constant 0 : i32
    %dma_start3A_45 = arith.constant 0 : i32
    %dma_start3A_46 = tpu.memref_slice %arg6[%dma_start3A_43, %dma_start3A_44, %dma_start3A_45] : memref<3x40x1024xf32, #tpu.memory_space<vmem>> -> memref<1x40x1024xf32, #tpu.memory_space<vmem>>
    %dma_start3A_47 = tpu.memref_squeeze %dma_start3A_46 : memref<1x40x1024xf32, #tpu.memory_space<vmem>> -> memref<40x1024xf32, #tpu.memory_space<vmem>>
    %dma_start3A_48 = arith.constant 0 : i32
    %dma_start3A_49 = tpu.memref_slice %arg4[%add3A_42, %dma_start3A_48] : memref<16384x1024xf32, #tpu.memory_space<hbm>> -> memref<40x1024xf32, #tpu.memory_space<hbm>>
    %dma_start3A_50 = arith.constant 0 : i32
    %dma_start3A_51 = tpu.memref_slice %arg4[%add3A_42, %dma_start3A_50] : memref<16384x1024xf32, #tpu.memory_space<hbm>> -> memref<40x1024xf32, #tpu.memory_space<hbm>>
    %dma_start3A_52 = arith.constant 0 : i32
    %dma_start3A_53 = arith.constant 0 : i32
    %dma_start3A_54 = tpu.memref_slice %arg6[%dma_start3A_43, %dma_start3A_52, %dma_start3A_53] : memref<3x40x1024xf32, #tpu.memory_space<vmem>> -> memref<1x40x1024xf32, #tpu.memory_space<vmem>>
    %dma_start3A_55 = tpu.memref_squeeze %dma_start3A_54 : memref<1x40x1024xf32, #tpu.memory_space<vmem>> -> memref<40x1024xf32, #tpu.memory_space<vmem>>
    tpu.enqueue_dma source(%dma_start3A_55 : memref<40x1024xf32, #tpu.memory_space<vmem>>) target(%dma_start3A_51 : memref<40x1024xf32, #tpu.memory_space<hbm>>) target_semaphore(%arg10 : memref<!tpu.dma_semaphore, #tpu.memory_space<semaphore_mem>>)
    %add3A_56 = arith.constant 0 : i32
    %add3A_57 = arith.addi %mul3A_2, %add3A_56 : i32
    %dma_wait3A_58 = arith.constant 0 : i32
    %dma_wait3A_59 = arith.constant 0 : i32
    %dma_wait3A_60 = arith.constant 0 : i32
    %dma_wait3A_61 = tpu.memref_slice %arg6[%dma_wait3A_58, %dma_wait3A_59, %dma_wait3A_60] : memref<3x40x1024xf32, #tpu.memory_space<vmem>> -> memref<1x40x1024xf32, #tpu.memory_space<vmem>>
    %dma_wait3A_62 = tpu.memref_squeeze %dma_wait3A_61 : memref<1x40x1024xf32, #tpu.memory_space<vmem>> -> memref<40x1024xf32, #tpu.memory_space<vmem>>
    %dma_wait3A_63 = arith.constant 0 : i32
    %dma_wait3A_64 = tpu.memref_slice %arg4[%add3A_57, %dma_wait3A_63] : memref<16384x1024xf32, #tpu.memory_space<hbm>> -> memref<40x1024xf32, #tpu.memory_space<hbm>>
    %dma_wait3A_65 = arith.constant 0 : i32
    %dma_wait3A_66 = tpu.memref_slice %arg4[%add3A_57, %dma_wait3A_65] : memref<16384x1024xf32, #tpu.memory_space<hbm>> -> memref<40x1024xf32, #tpu.memory_space<hbm>>
    %dma_wait3A_67 = arith.constant 0 : i32
    %dma_wait3A_68 = arith.constant 0 : i32
    %dma_wait3A_69 = tpu.memref_slice %arg6[%dma_wait3A_58, %dma_wait3A_67, %dma_wait3A_68] : memref<3x40x1024xf32, #tpu.memory_space<vmem>> -> memref<1x40x1024xf32, #tpu.memory_space<vmem>>
    %dma_wait3A_70 = tpu.memref_squeeze %dma_wait3A_69 : memref<1x40x1024xf32, #tpu.memory_space<vmem>> -> memref<40x1024xf32, #tpu.memory_space<vmem>>
    tpu.wait_dma2 semaphore(%arg10 : memref<!tpu.dma_semaphore, #tpu.memory_space<semaphore_mem>>) src(%dma_wait3A_70 : memref<40x1024xf32, #tpu.memory_space<vmem>>) dst(%dma_wait3A_66 : memref<40x1024xf32, #tpu.memory_space<hbm>>)
    %dma_start3A_71 = arith.constant 0 : i32
    %dma_start3A_72 = arith.constant 0 : i32
    %dma_start3A_73 = arith.constant 0 : i32
    %dma_start3A_74 = tpu.memref_slice %arg6[%dma_start3A_71, %dma_start3A_72, %dma_start3A_73] : memref<3x40x1024xf32, #tpu.memory_space<vmem>> -> memref<1x40x1024xf32, #tpu.memory_space<vmem>>
    %dma_start3A_75 = tpu.memref_squeeze %dma_start3A_74 : memref<1x40x1024xf32, #tpu.memory_space<vmem>> -> memref<40x1024xf32, #tpu.memory_space<vmem>>
    %dma_start3A_76 = arith.constant 120 : i32
    %dma_start3A_77 = tpu.memref_slice %arg5[%dma_start3A_76] : memref<512xi32, #tpu.memory_space<vmem>> -> memref<40xi32, #tpu.memory_space<vmem>>
    %dma_start3A_78 = arith.constant 0 : i32
    %dma_start3A_79 = arith.constant 0 : i32
    %dma_start3A_80 = tpu.memref_slice %arg3[%dma_start3A_78, %dma_start3A_79] : memref<100000x1024xf32, #tpu.memory_space<hbm>> -> memref<100000x1024xf32, #tpu.memory_space<hbm>>
    tpu.enqueue_indirect_dma source(%dma_start3A_80 : memref<100000x1024xf32, #tpu.memory_space<hbm>>) target(%dma_start3A_75 : memref<40x1024xf32, #tpu.memory_space<vmem>>) offsets(%dma_start3A_77 : memref<40xi32, #tpu.memory_space<vmem>>) semaphore(%arg7 : memref<!tpu.dma_semaphore, #tpu.memory_space<semaphore_mem>>)
    %dma_wait3A_81 = arith.constant 1 : i32
    %dma_wait3A_82 = arith.constant 0 : i32
    %dma_wait3A_83 = arith.constant 0 : i32
    %dma_wait3A_84 = tpu.memref_slice %arg6[%dma_wait3A_81, %dma_wait3A_82, %dma_wait3A_83] : memref<3x40x1024xf32, #tpu.memory_space<vmem>> -> memref<1x40x1024xf32, #tpu.memory_space<vmem>>
    %dma_wait3A_85 = tpu.memref_squeeze %dma_wait3A_84 : memref<1x40x1024xf32, #tpu.memory_space<vmem>> -> memref<40x1024xf32, #tpu.memory_space<vmem>>
    %dma_wait3A_86 = arith.constant 40 : i32
    %dma_wait3A_87 = tpu.memref_slice %arg5[%dma_wait3A_86] : memref<512xi32, #tpu.memory_space<vmem>> -> memref<40xi32, #tpu.memory_space<vmem>>
    %dma_wait3A_88 = arith.constant 0 : i32
    %dma_wait3A_89 = arith.constant 0 : i32
    %dma_wait3A_90 = tpu.memref_slice %arg3[%dma_wait3A_88, %dma_wait3A_89] : memref<100000x1024xf32, #tpu.memory_space<hbm>> -> memref<100000x1024xf32, #tpu.memory_space<hbm>>
    tpu.wait_indirect_dma semaphore(%arg8 : memref<!tpu.dma_semaphore, #tpu.memory_space<semaphore_mem>>) src(%dma_wait3A_90 : memref<100000x1024xf32, #tpu.memory_space<hbm>>) dst(%dma_wait3A_85 : memref<40x1024xf32, #tpu.memory_space<vmem>>)
    %add3A_91 = arith.constant 40 : i32
    %add3A_92 = arith.addi %mul3A_2, %add3A_91 : i32
    %dma_start3A_93 = arith.constant 1 : i32
    %dma_start3A_94 = arith.constant 0 : i32
    %dma_start3A_95 = arith.constant 0 : i32
    %dma_start3A_96 = tpu.memref_slice %arg6[%dma_start3A_93, %dma_start3A_94, %dma_start3A_95] : memref<3x40x1024xf32, #tpu.memory_space<vmem>> -> memref<1x40x1024xf32, #tpu.memory_space<vmem>>
    %dma_start3A_97 = tpu.memref_squeeze %dma_start3A_96 : memref<1x40x1024xf32, #tpu.memory_space<vmem>> -> memref<40x1024xf32, #tpu.memory_space<vmem>>
    %dma_start3A_98 = arith.constant 0 : i32
    %dma_start3A_99 = tpu.memref_slice %arg4[%add3A_92, %dma_start3A_98] : memref<16384x1024xf32, #tpu.memory_space<hbm>> -> memref<40x1024xf32, #tpu.memory_space<hbm>>
    %dma_start3A_100 = arith.constant 0 : i32
    %dma_start3A_101 = tpu.memref_slice %arg4[%add3A_92, %dma_start3A_100] : memref<16384x1024xf32, #tpu.memory_space<hbm>> -> memref<40x1024xf32, #tpu.memory_space<hbm>>
    %dma_start3A_102 = arith.constant 0 : i32
    %dma_start3A_103 = arith.constant 0 : i32
    %dma_start3A_104 = tpu.memref_slice %arg6[%dma_start3A_93, %dma_start3A_102, %dma_start3A_103] : memref<3x40x1024xf32, #tpu.memory_space<vmem>> -> memref<1x40x1024xf32, #tpu.memory_space<vmem>>
    %dma_start3A_105 = tpu.memref_squeeze %dma_start3A_104 : memref<1x40x1024xf32, #tpu.memory_space<vmem>> -> memref<40x1024xf32, #tpu.memory_space<vmem>>
    tpu.enqueue_dma source(%dma_start3A_105 : memref<40x1024xf32, #tpu.memory_space<vmem>>) target(%dma_start3A_101 : memref<40x1024xf32, #tpu.memory_space<hbm>>) target_semaphore(%arg11 : memref<!tpu.dma_semaphore, #tpu.memory_space<semaphore_mem>>)
    %add3A_106 = arith.constant 40 : i32
    %add3A_107 = arith.addi %mul3A_2, %add3A_106 : i32
    %dma_wait3A_108 = arith.constant 1 : i32
    %dma_wait3A_109 = arith.constant 0 : i32
    %dma_wait3A_110 = arith.constant 0 : i32
    %dma_wait3A_111 = tpu.memref_slice %arg6[%dma_wait3A_108, %dma_wait3A_109, %dma_wait3A_110] : memref<3x40x1024xf32, #tpu.memory_space<vmem>> -> memref<1x40x1024xf32, #tpu.memory_space<vmem>>
    %dma_wait3A_112 = tpu.memref_squeeze %dma_wait3A_111 : memref<1x40x1024xf32, #tpu.memory_space<vmem>> -> memref<40x1024xf32, #tpu.memory_space<vmem>>
    %dma_wait3A_113 = arith.constant 0 : i32
    %dma_wait3A_114 = tpu.memref_slice %arg4[%add3A_107, %dma_wait3A_113] : memref<16384x1024xf32, #tpu.memory_space<hbm>> -> memref<40x1024xf32, #tpu.memory_space<hbm>>
    %dma_wait3A_115 = arith.constant 0 : i32
    %dma_wait3A_116 = tpu.memref_slice %arg4[%add3A_107, %dma_wait3A_115] : memref<16384x1024xf32, #tpu.memory_space<hbm>> -> memref<40x1024xf32, #tpu.memory_space<hbm>>
    %dma_wait3A_117 = arith.constant 0 : i32
    %dma_wait3A_118 = arith.constant 0 : i32
    %dma_wait3A_119 = tpu.memref_slice %arg6[%dma_wait3A_108, %dma_wait3A_117, %dma_wait3A_118] : memref<3x40x1024xf32, #tpu.memory_space<vmem>> -> memref<1x40x1024xf32, #tpu.memory_space<vmem>>
    %dma_wait3A_120 = tpu.memref_squeeze %dma_wait3A_119 : memref<1x40x1024xf32, #tpu.memory_space<vmem>> -> memref<40x1024xf32, #tpu.memory_space<vmem>>
    tpu.wait_dma2 semaphore(%arg11 : memref<!tpu.dma_semaphore, #tpu.memory_space<semaphore_mem>>) src(%dma_wait3A_120 : memref<40x1024xf32, #tpu.memory_space<vmem>>) dst(%dma_wait3A_116 : memref<40x1024xf32, #tpu.memory_space<hbm>>)
    %dma_start3A_121 = arith.constant 1 : i32
    %dma_start3A_122 = arith.constant 0 : i32
    %dma_start3A_123 = arith.constant 0 : i32
    %dma_start3A_124 = tpu.memref_slice %arg6[%dma_start3A_121, %dma_start3A_122, %dma_start3A_123] : memref<3x40x1024xf32, #tpu.memory_space<vmem>> -> memref<1x40x1024xf32, #tpu.memory_space<vmem>>
    %dma_start3A_125 = tpu.memref_squeeze %dma_start3A_124 : memref<1x40x1024xf32, #tpu.memory_space<vmem>> -> memref<40x1024xf32, #tpu.memory_space<vmem>>
    %dma_start3A_126 = arith.constant 160 : i32
    %dma_start3A_127 = tpu.memref_slice %arg5[%dma_start3A_126] : memref<512xi32, #tpu.memory_space<vmem>> -> memref<40xi32, #tpu.memory_space<vmem>>
    %dma_start3A_128 = arith.constant 0 : i32
    %dma_start3A_129 = arith.constant 0 : i32
    %dma_start3A_130 = tpu.memref_slice %arg3[%dma_start3A_128, %dma_start3A_129] : memref<100000x1024xf32, #tpu.memory_space<hbm>> -> memref<100000x1024xf32, #tpu.memory_space<hbm>>
    tpu.enqueue_indirect_dma source(%dma_start3A_130 : memref<100000x1024xf32, #tpu.memory_space<hbm>>) target(%dma_start3A_125 : memref<40x1024xf32, #tpu.memory_space<vmem>>) offsets(%dma_start3A_127 : memref<40xi32, #tpu.memory_space<vmem>>) semaphore(%arg8 : memref<!tpu.dma_semaphore, #tpu.memory_space<semaphore_mem>>)
    %dma_wait3A_131 = arith.constant 2 : i32
    %dma_wait3A_132 = arith.constant 0 : i32
    %dma_wait3A_133 = arith.constant 0 : i32
    %dma_wait3A_134 = tpu.memref_slice %arg6[%dma_wait3A_131, %dma_wait3A_132, %dma_wait3A_133] : memref<3x40x1024xf32, #tpu.memory_space<vmem>> -> memref<1x40x1024xf32, #tpu.memory_space<vmem>>
    %dma_wait3A_135 = tpu.memref_squeeze %dma_wait3A_134 : memref<1x40x1024xf32, #tpu.memory_space<vmem>> -> memref<40x1024xf32, #tpu.memory_space<vmem>>
    %dma_wait3A_136 = arith.constant 80 : i32
    %dma_wait3A_137 = tpu.memref_slice %arg5[%dma_wait3A_136] : memref<512xi32, #tpu.memory_space<vmem>> -> memref<40xi32, #tpu.memory_space<vmem>>
    %dma_wait3A_138 = arith.constant 0 : i32
    %dma_wait3A_139 = arith.constant 0 : i32
    %dma_wait3A_140 = tpu.memref_slice %arg3[%dma_wait3A_138, %dma_wait3A_139] : memref<100000x1024xf32, #tpu.memory_space<hbm>> -> memref<100000x1024xf32, #tpu.memory_space<hbm>>
    tpu.wait_indirect_dma semaphore(%arg9 : memref<!tpu.dma_semaphore, #tpu.memory_space<semaphore_mem>>) src(%dma_wait3A_140 : memref<100000x1024xf32, #tpu.memory_space<hbm>>) dst(%dma_wait3A_135 : memref<40x1024xf32, #tpu.memory_space<vmem>>)
    %add3A_141 = arith.constant 80 : i32
    %add3A_142 = arith.addi %mul3A_2, %add3A_141 : i32
    %dma_start3A_143 = arith.constant 2 : i32
    %dma_start3A_144 = arith.constant 0 : i32
    %dma_start3A_145 = arith.constant 0 : i32
    %dma_start3A_146 = tpu.memref_slice %arg6[%dma_start3A_143, %dma_start3A_144, %dma_start3A_145] : memref<3x40x1024xf32, #tpu.memory_space<vmem>> -> memref<1x40x1024xf32, #tpu.memory_space<vmem>>
    %dma_start3A_147 = tpu.memref_squeeze %dma_start3A_146 : memref<1x40x1024xf32, #tpu.memory_space<vmem>> -> memref<40x1024xf32, #tpu.memory_space<vmem>>
    %dma_start3A_148 = arith.constant 0 : i32
    %dma_start3A_149 = tpu.memref_slice %arg4[%add3A_142, %dma_start3A_148] : memref<16384x1024xf32, #tpu.memory_space<hbm>> -> memref<40x1024xf32, #tpu.memory_space<hbm>>
    %dma_start3A_150 = arith.constant 0 : i32
    %dma_start3A_151 = tpu.memref_slice %arg4[%add3A_142, %dma_start3A_150] : memref<16384x1024xf32, #tpu.memory_space<hbm>> -> memref<40x1024xf32, #tpu.memory_space<hbm>>
    %dma_start3A_152 = arith.constant 0 : i32
    %dma_start3A_153 = arith.constant 0 : i32
    %dma_start3A_154 = tpu.memref_slice %arg6[%dma_start3A_143, %dma_start3A_152, %dma_start3A_153] : memref<3x40x1024xf32, #tpu.memory_space<vmem>> -> memref<1x40x1024xf32, #tpu.memory_space<vmem>>
    %dma_start3A_155 = tpu.memref_squeeze %dma_start3A_154 : memref<1x40x1024xf32, #tpu.memory_space<vmem>> -> memref<40x1024xf32, #tpu.memory_space<vmem>>
    tpu.enqueue_dma source(%dma_start3A_155 : memref<40x1024xf32, #tpu.memory_space<vmem>>) target(%dma_start3A_151 : memref<40x1024xf32, #tpu.memory_space<hbm>>) target_semaphore(%arg12 : memref<!tpu.dma_semaphore, #tpu.memory_space<semaphore_mem>>)
    %add3A_156 = arith.constant 80 : i32
    %add3A_157 = arith.addi %mul3A_2, %add3A_156 : i32
    %dma_wait3A_158 = arith.constant 2 : i32
    %dma_wait3A_159 = arith.constant 0 : i32
    %dma_wait3A_160 = arith.constant 0 : i32
    %dma_wait3A_161 = tpu.memref_slice %arg6[%dma_wait3A_158, %dma_wait3A_159, %dma_wait3A_160] : memref<3x40x1024xf32, #tpu.memory_space<vmem>> -> memref<1x40x1024xf32, #tpu.memory_space<vmem>>
    %dma_wait3A_162 = tpu.memref_squeeze %dma_wait3A_161 : memref<1x40x1024xf32, #tpu.memory_space<vmem>> -> memref<40x1024xf32, #tpu.memory_space<vmem>>
    %dma_wait3A_163 = arith.constant 0 : i32
    %dma_wait3A_164 = tpu.memref_slice %arg4[%add3A_157, %dma_wait3A_163] : memref<16384x1024xf32, #tpu.memory_space<hbm>> -> memref<40x1024xf32, #tpu.memory_space<hbm>>
    %dma_wait3A_165 = arith.constant 0 : i32
    %dma_wait3A_166 = tpu.memref_slice %arg4[%add3A_157, %dma_wait3A_165] : memref<16384x1024xf32, #tpu.memory_space<hbm>> -> memref<40x1024xf32, #tpu.memory_space<hbm>>
    %dma_wait3A_167 = arith.constant 0 : i32
    %dma_wait3A_168 = arith.constant 0 : i32
    %dma_wait3A_169 = tpu.memref_slice %arg6[%dma_wait3A_158, %dma_wait3A_167, %dma_wait3A_168] : memref<3x40x1024xf32, #tpu.memory_space<vmem>> -> memref<1x40x1024xf32, #tpu.memory_space<vmem>>
    %dma_wait3A_170 = tpu.memref_squeeze %dma_wait3A_169 : memref<1x40x1024xf32, #tpu.memory_space<vmem>> -> memref<40x1024xf32, #tpu.memory_space<vmem>>
    tpu.wait_dma2 semaphore(%arg12 : memref<!tpu.dma_semaphore, #tpu.memory_space<semaphore_mem>>) src(%dma_wait3A_170 : memref<40x1024xf32, #tpu.memory_space<vmem>>) dst(%dma_wait3A_166 : memref<40x1024xf32, #tpu.memory_space<hbm>>)
    %dma_start3A_171 = arith.constant 2 : i32
    %dma_start3A_172 = arith.constant 0 : i32
    %dma_start3A_173 = arith.constant 0 : i32
    %dma_start3A_174 = tpu.memref_slice %arg6[%dma_start3A_171, %dma_start3A_172, %dma_start3A_173] : memref<3x40x1024xf32, #tpu.memory_space<vmem>> -> memref<1x40x1024xf32, #tpu.memory_space<vmem>>
    %dma_start3A_175 = tpu.memref_squeeze %dma_start3A_174 : memref<1x40x1024xf32, #tpu.memory_space<vmem>> -> memref<40x1024xf32, #tpu.memory_space<vmem>>
    %dma_start3A_176 = arith.constant 200 : i32
    %dma_start3A_177 = tpu.memref_slice %arg5[%dma_start3A_176] : memref<512xi32, #tpu.memory_space<vmem>> -> memref<40xi32, #tpu.memory_space<vmem>>
    %dma_start3A_178 = arith.constant 0 : i32
    %dma_start3A_179 = arith.constant 0 : i32
    %dma_start3A_180 = tpu.memref_slice %arg3[%dma_start3A_178, %dma_start3A_179] : memref<100000x1024xf32, #tpu.memory_space<hbm>> -> memref<100000x1024xf32, #tpu.memory_space<hbm>>
    tpu.enqueue_indirect_dma source(%dma_start3A_180 : memref<100000x1024xf32, #tpu.memory_space<hbm>>) target(%dma_start3A_175 : memref<40x1024xf32, #tpu.memory_space<vmem>>) offsets(%dma_start3A_177 : memref<40xi32, #tpu.memory_space<vmem>>) semaphore(%arg9 : memref<!tpu.dma_semaphore, #tpu.memory_space<semaphore_mem>>)
    %dma_wait3A_181 = arith.constant 0 : i32
    %dma_wait3A_182 = arith.constant 0 : i32
    %dma_wait3A_183 = arith.constant 0 : i32
    %dma_wait3A_184 = tpu.memref_slice %arg6[%dma_wait3A_181, %dma_wait3A_182, %dma_wait3A_183] : memref<3x40x1024xf32, #tpu.memory_space<vmem>> -> memref<1x40x1024xf32, #tpu.memory_space<vmem>>
    %dma_wait3A_185 = tpu.memref_squeeze %dma_wait3A_184 : memref<1x40x1024xf32, #tpu.memory_space<vmem>> -> memref<40x1024xf32, #tpu.memory_space<vmem>>
    %dma_wait3A_186 = arith.constant 120 : i32
    %dma_wait3A_187 = tpu.memref_slice %arg5[%dma_wait3A_186] : memref<512xi32, #tpu.memory_space<vmem>> -> memref<40xi32, #tpu.memory_space<vmem>>
    %dma_wait3A_188 = arith.constant 0 : i32
    %dma_wait3A_189 = arith.constant 0 : i32
    %dma_wait3A_190 = tpu.memref_slice %arg3[%dma_wait3A_188, %dma_wait3A_189] : memref<100000x1024xf32, #tpu.memory_space<hbm>> -> memref<100000x1024xf32, #tpu.memory_space<hbm>>
    tpu.wait_indirect_dma semaphore(%arg7 : memref<!tpu.dma_semaphore, #tpu.memory_space<semaphore_mem>>) src(%dma_wait3A_190 : memref<100000x1024xf32, #tpu.memory_space<hbm>>) dst(%dma_wait3A_185 : memref<40x1024xf32, #tpu.memory_space<vmem>>)
    %add3A_191 = arith.constant 120 : i32
    %add3A_192 = arith.addi %mul3A_2, %add3A_191 : i32
    %dma_start3A_193 = arith.constant 0 : i32
    %dma_start3A_194 = arith.constant 0 : i32
    %dma_start3A_195 = arith.constant 0 : i32
    %dma_start3A_196 = tpu.memref_slice %arg6[%dma_start3A_193, %dma_start3A_194, %dma_start3A_195] : memref<3x40x1024xf32, #tpu.memory_space<vmem>> -> memref<1x40x1024xf32, #tpu.memory_space<vmem>>
    %dma_start3A_197 = tpu.memref_squeeze %dma_start3A_196 : memref<1x40x1024xf32, #tpu.memory_space<vmem>> -> memref<40x1024xf32, #tpu.memory_space<vmem>>
    %dma_start3A_198 = arith.constant 0 : i32
    %dma_start3A_199 = tpu.memref_slice %arg4[%add3A_192, %dma_start3A_198] : memref<16384x1024xf32, #tpu.memory_space<hbm>> -> memref<40x1024xf32, #tpu.memory_space<hbm>>
    %dma_start3A_200 = arith.constant 0 : i32
    %dma_start3A_201 = tpu.memref_slice %arg4[%add3A_192, %dma_start3A_200] : memref<16384x1024xf32, #tpu.memory_space<hbm>> -> memref<40x1024xf32, #tpu.memory_space<hbm>>
    %dma_start3A_202 = arith.constant 0 : i32
    %dma_start3A_203 = arith.constant 0 : i32
    %dma_start3A_204 = tpu.memref_slice %arg6[%dma_start3A_193, %dma_start3A_202, %dma_start3A_203] : memref<3x40x1024xf32, #tpu.memory_space<vmem>> -> memref<1x40x1024xf32, #tpu.memory_space<vmem>>
    %dma_start3A_205 = tpu.memref_squeeze %dma_start3A_204 : memref<1x40x1024xf32, #tpu.memory_space<vmem>> -> memref<40x1024xf32, #tpu.memory_space<vmem>>
    tpu.enqueue_dma source(%dma_start3A_205 : memref<40x1024xf32, #tpu.memory_space<vmem>>) target(%dma_start3A_201 : memref<40x1024xf32, #tpu.memory_space<hbm>>) target_semaphore(%arg10 : memref<!tpu.dma_semaphore, #tpu.memory_space<semaphore_mem>>)
    %add3A_206 = arith.constant 120 : i32
    %add3A_207 = arith.addi %mul3A_2, %add3A_206 : i32
    %dma_wait3A_208 = arith.constant 0 : i32
    %dma_wait3A_209 = arith.constant 0 : i32
    %dma_wait3A_210 = arith.constant 0 : i32
    %dma_wait3A_211 = tpu.memref_slice %arg6[%dma_wait3A_208, %dma_wait3A_209, %dma_wait3A_210] : memref<3x40x1024xf32, #tpu.memory_space<vmem>> -> memref<1x40x1024xf32, #tpu.memory_space<vmem>>
    %dma_wait3A_212 = tpu.memref_squeeze %dma_wait3A_211 : memref<1x40x1024xf32, #tpu.memory_space<vmem>> -> memref<40x1024xf32, #tpu.memory_space<vmem>>
    %dma_wait3A_213 = arith.constant 0 : i32
    %dma_wait3A_214 = tpu.memref_slice %arg4[%add3A_207, %dma_wait3A_213] : memref<16384x1024xf32, #tpu.memory_space<hbm>> -> memref<40x1024xf32, #tpu.memory_space<hbm>>
    %dma_wait3A_215 = arith.constant 0 : i32
    %dma_wait3A_216 = tpu.memref_slice %arg4[%add3A_207, %dma_wait3A_215] : memref<16384x1024xf32, #tpu.memory_space<hbm>> -> memref<40x1024xf32, #tpu.memory_space<hbm>>
    %dma_wait3A_217 = arith.constant 0 : i32
    %dma_wait3A_218 = arith.constant 0 : i32
    %dma_wait3A_219 = tpu.memref_slice %arg6[%dma_wait3A_208, %dma_wait3A_217, %dma_wait3A_218] : memref<3x40x1024xf32, #tpu.memory_space<vmem>> -> memref<1x40x1024xf32, #tpu.memory_space<vmem>>
    %dma_wait3A_220 = tpu.memref_squeeze %dma_wait3A_219 : memref<1x40x1024xf32, #tpu.memory_space<vmem>> -> memref<40x1024xf32, #tpu.memory_space<vmem>>
    tpu.wait_dma2 semaphore(%arg10 : memref<!tpu.dma_semaphore, #tpu.memory_space<semaphore_mem>>) src(%dma_wait3A_220 : memref<40x1024xf32, #tpu.memory_space<vmem>>) dst(%dma_wait3A_216 : memref<40x1024xf32, #tpu.memory_space<hbm>>)
    %dma_start3A_221 = arith.constant 0 : i32
    %dma_start3A_222 = arith.constant 0 : i32
    %dma_start3A_223 = arith.constant 0 : i32
    %dma_start3A_224 = tpu.memref_slice %arg6[%dma_start3A_221, %dma_start3A_222, %dma_start3A_223] : memref<3x40x1024xf32, #tpu.memory_space<vmem>> -> memref<1x40x1024xf32, #tpu.memory_space<vmem>>
    %dma_start3A_225 = tpu.memref_squeeze %dma_start3A_224 : memref<1x40x1024xf32, #tpu.memory_space<vmem>> -> memref<40x1024xf32, #tpu.memory_space<vmem>>
    %dma_start3A_226 = arith.constant 240 : i32
    %dma_start3A_227 = tpu.memref_slice %arg5[%dma_start3A_226] : memref<512xi32, #tpu.memory_space<vmem>> -> memref<40xi32, #tpu.memory_space<vmem>>
    %dma_start3A_228 = arith.constant 0 : i32
    %dma_start3A_229 = arith.constant 0 : i32
    %dma_start3A_230 = tpu.memref_slice %arg3[%dma_start3A_228, %dma_start3A_229] : memref<100000x1024xf32, #tpu.memory_space<hbm>> -> memref<100000x1024xf32, #tpu.memory_space<hbm>>
    tpu.enqueue_indirect_dma source(%dma_start3A_230 : memref<100000x1024xf32, #tpu.memory_space<hbm>>) target(%dma_start3A_225 : memref<40x1024xf32, #tpu.memory_space<vmem>>) offsets(%dma_start3A_227 : memref<40xi32, #tpu.memory_space<vmem>>) semaphore(%arg7 : memref<!tpu.dma_semaphore, #tpu.memory_space<semaphore_mem>>)
    %dma_wait3A_231 = arith.constant 1 : i32
    %dma_wait3A_232 = arith.constant 0 : i32
    %dma_wait3A_233 = arith.constant 0 : i32
    %dma_wait3A_234 = tpu.memref_slice %arg6[%dma_wait3A_231, %dma_wait3A_232, %dma_wait3A_233] : memref<3x40x1024xf32, #tpu.memory_space<vmem>> -> memref<1x40x1024xf32, #tpu.memory_space<vmem>>
    %dma_wait3A_235 = tpu.memref_squeeze %dma_wait3A_234 : memref<1x40x1024xf32, #tpu.memory_space<vmem>> -> memref<40x1024xf32, #tpu.memory_space<vmem>>
    %dma_wait3A_236 = arith.constant 160 : i32
    %dma_wait3A_237 = tpu.memref_slice %arg5[%dma_wait3A_236] : memref<512xi32, #tpu.memory_space<vmem>> -> memref<40xi32, #tpu.memory_space<vmem>>
    %dma_wait3A_238 = arith.constant 0 : i32
    %dma_wait3A_239 = arith.constant 0 : i32
    %dma_wait3A_240 = tpu.memref_slice %arg3[%dma_wait3A_238, %dma_wait3A_239] : memref<100000x1024xf32, #tpu.memory_space<hbm>> -> memref<100000x1024xf32, #tpu.memory_space<hbm>>
    tpu.wait_indirect_dma semaphore(%arg8 : memref<!tpu.dma_semaphore, #tpu.memory_space<semaphore_mem>>) src(%dma_wait3A_240 : memref<100000x1024xf32, #tpu.memory_space<hbm>>) dst(%dma_wait3A_235 : memref<40x1024xf32, #tpu.memory_space<vmem>>)
    %add3A_241 = arith.constant 160 : i32
    %add3A_242 = arith.addi %mul3A_2, %add3A_241 : i32
    %dma_start3A_243 = arith.constant 1 : i32
    %dma_start3A_244 = arith.constant 0 : i32
    %dma_start3A_245 = arith.constant 0 : i32
    %dma_start3A_246 = tpu.memref_slice %arg6[%dma_start3A_243, %dma_start3A_244, %dma_start3A_245] : memref<3x40x1024xf32, #tpu.memory_space<vmem>> -> memref<1x40x1024xf32, #tpu.memory_space<vmem>>
    %dma_start3A_247 = tpu.memref_squeeze %dma_start3A_246 : memref<1x40x1024xf32, #tpu.memory_space<vmem>> -> memref<40x1024xf32, #tpu.memory_space<vmem>>
    %dma_start3A_248 = arith.constant 0 : i32
    %dma_start3A_249 = tpu.memref_slice %arg4[%add3A_242, %dma_start3A_248] : memref<16384x1024xf32, #tpu.memory_space<hbm>> -> memref<40x1024xf32, #tpu.memory_space<hbm>>
    %dma_start3A_250 = arith.constant 0 : i32
    %dma_start3A_251 = tpu.memref_slice %arg4[%add3A_242, %dma_start3A_250] : memref<16384x1024xf32, #tpu.memory_space<hbm>> -> memref<40x1024xf32, #tpu.memory_space<hbm>>
    %dma_start3A_252 = arith.constant 0 : i32
    %dma_start3A_253 = arith.constant 0 : i32
    %dma_start3A_254 = tpu.memref_slice %arg6[%dma_start3A_243, %dma_start3A_252, %dma_start3A_253] : memref<3x40x1024xf32, #tpu.memory_space<vmem>> -> memref<1x40x1024xf32, #tpu.memory_space<vmem>>
    %dma_start3A_255 = tpu.memref_squeeze %dma_start3A_254 : memref<1x40x1024xf32, #tpu.memory_space<vmem>> -> memref<40x1024xf32, #tpu.memory_space<vmem>>
    tpu.enqueue_dma source(%dma_start3A_255 : memref<40x1024xf32, #tpu.memory_space<vmem>>) target(%dma_start3A_251 : memref<40x1024xf32, #tpu.memory_space<hbm>>) target_semaphore(%arg11 : memref<!tpu.dma_semaphore, #tpu.memory_space<semaphore_mem>>)
    %add3A_256 = arith.constant 160 : i32
    %add3A_257 = arith.addi %mul3A_2, %add3A_256 : i32
    %dma_wait3A_258 = arith.constant 1 : i32
    %dma_wait3A_259 = arith.constant 0 : i32
    %dma_wait3A_260 = arith.constant 0 : i32
    %dma_wait3A_261 = tpu.memref_slice %arg6[%dma_wait3A_258, %dma_wait3A_259, %dma_wait3A_260] : memref<3x40x1024xf32, #tpu.memory_space<vmem>> -> memref<1x40x1024xf32, #tpu.memory_space<vmem>>
    %dma_wait3A_262 = tpu.memref_squeeze %dma_wait3A_261 : memref<1x40x1024xf32, #tpu.memory_space<vmem>> -> memref<40x1024xf32, #tpu.memory_space<vmem>>
    %dma_wait3A_263 = arith.constant 0 : i32
    %dma_wait3A_264 = tpu.memref_slice %arg4[%add3A_257, %dma_wait3A_263] : memref<16384x1024xf32, #tpu.memory_space<hbm>> -> memref<40x1024xf32, #tpu.memory_space<hbm>>
    %dma_wait3A_265 = arith.constant 0 : i32
    %dma_wait3A_266 = tpu.memref_slice %arg4[%add3A_257, %dma_wait3A_265] : memref<16384x1024xf32, #tpu.memory_space<hbm>> -> memref<40x1024xf32, #tpu.memory_space<hbm>>
    %dma_wait3A_267 = arith.constant 0 : i32
    %dma_wait3A_268 = arith.constant 0 : i32
    %dma_wait3A_269 = tpu.memref_slice %arg6[%dma_wait3A_258, %dma_wait3A_267, %dma_wait3A_268] : memref<3x40x1024xf32, #tpu.memory_space<vmem>> -> memref<1x40x1024xf32, #tpu.memory_space<vmem>>
    %dma_wait3A_270 = tpu.memref_squeeze %dma_wait3A_269 : memref<1x40x1024xf32, #tpu.memory_space<vmem>> -> memref<40x1024xf32, #tpu.memory_space<vmem>>
    tpu.wait_dma2 semaphore(%arg11 : memref<!tpu.dma_semaphore, #tpu.memory_space<semaphore_mem>>) src(%dma_wait3A_270 : memref<40x1024xf32, #tpu.memory_space<vmem>>) dst(%dma_wait3A_266 : memref<40x1024xf32, #tpu.memory_space<hbm>>)
    %dma_start3A_271 = arith.constant 1 : i32
    %dma_start3A_272 = arith.constant 0 : i32
    %dma_start3A_273 = arith.constant 0 : i32
    %dma_start3A_274 = tpu.memref_slice %arg6[%dma_start3A_271, %dma_start3A_272, %dma_start3A_273] : memref<3x40x1024xf32, #tpu.memory_space<vmem>> -> memref<1x40x1024xf32, #tpu.memory_space<vmem>>
    %dma_start3A_275 = tpu.memref_squeeze %dma_start3A_274 : memref<1x40x1024xf32, #tpu.memory_space<vmem>> -> memref<40x1024xf32, #tpu.memory_space<vmem>>
    %dma_start3A_276 = arith.constant 280 : i32
    %dma_start3A_277 = tpu.memref_slice %arg5[%dma_start3A_276] : memref<512xi32, #tpu.memory_space<vmem>> -> memref<40xi32, #tpu.memory_space<vmem>>
    %dma_start3A_278 = arith.constant 0 : i32
    %dma_start3A_279 = arith.constant 0 : i32
    %dma_start3A_280 = tpu.memref_slice %arg3[%dma_start3A_278, %dma_start3A_279] : memref<100000x1024xf32, #tpu.memory_space<hbm>> -> memref<100000x1024xf32, #tpu.memory_space<hbm>>
    tpu.enqueue_indirect_dma source(%dma_start3A_280 : memref<100000x1024xf32, #tpu.memory_space<hbm>>) target(%dma_start3A_275 : memref<40x1024xf32, #tpu.memory_space<vmem>>) offsets(%dma_start3A_277 : memref<40xi32, #tpu.memory_space<vmem>>) semaphore(%arg8 : memref<!tpu.dma_semaphore, #tpu.memory_space<semaphore_mem>>)
    %dma_wait3A_281 = arith.constant 2 : i32
    %dma_wait3A_282 = arith.constant 0 : i32
    %dma_wait3A_283 = arith.constant 0 : i32
    %dma_wait3A_284 = tpu.memref_slice %arg6[%dma_wait3A_281, %dma_wait3A_282, %dma_wait3A_283] : memref<3x40x1024xf32, #tpu.memory_space<vmem>> -> memref<1x40x1024xf32, #tpu.memory_space<vmem>>
    %dma_wait3A_285 = tpu.memref_squeeze %dma_wait3A_284 : memref<1x40x1024xf32, #tpu.memory_space<vmem>> -> memref<40x1024xf32, #tpu.memory_space<vmem>>
    %dma_wait3A_286 = arith.constant 200 : i32
    %dma_wait3A_287 = tpu.memref_slice %arg5[%dma_wait3A_286] : memref<512xi32, #tpu.memory_space<vmem>> -> memref<40xi32, #tpu.memory_space<vmem>>
    %dma_wait3A_288 = arith.constant 0 : i32
    %dma_wait3A_289 = arith.constant 0 : i32
    %dma_wait3A_290 = tpu.memref_slice %arg3[%dma_wait3A_288, %dma_wait3A_289] : memref<100000x1024xf32, #tpu.memory_space<hbm>> -> memref<100000x1024xf32, #tpu.memory_space<hbm>>
    tpu.wait_indirect_dma semaphore(%arg9 : memref<!tpu.dma_semaphore, #tpu.memory_space<semaphore_mem>>) src(%dma_wait3A_290 : memref<100000x1024xf32, #tpu.memory_space<hbm>>) dst(%dma_wait3A_285 : memref<40x1024xf32, #tpu.memory_space<vmem>>)
    %add3A_291 = arith.constant 200 : i32
    %add3A_292 = arith.addi %mul3A_2, %add3A_291 : i32
    %dma_start3A_293 = arith.constant 2 : i32
    %dma_start3A_294 = arith.constant 0 : i32
    %dma_start3A_295 = arith.constant 0 : i32
    %dma_start3A_296 = tpu.memref_slice %arg6[%dma_start3A_293, %dma_start3A_294, %dma_start3A_295] : memref<3x40x1024xf32, #tpu.memory_space<vmem>> -> memref<1x40x1024xf32, #tpu.memory_space<vmem>>
    %dma_start3A_297 = tpu.memref_squeeze %dma_start3A_296 : memref<1x40x1024xf32, #tpu.memory_space<vmem>> -> memref<40x1024xf32, #tpu.memory_space<vmem>>
    %dma_start3A_298 = arith.constant 0 : i32
    %dma_start3A_299 = tpu.memref_slice %arg4[%add3A_292, %dma_start3A_298] : memref<16384x1024xf32, #tpu.memory_space<hbm>> -> memref<40x1024xf32, #tpu.memory_space<hbm>>
    %dma_start3A_300 = arith.constant 0 : i32
    %dma_start3A_301 = tpu.memref_slice %arg4[%add3A_292, %dma_start3A_300] : memref<16384x1024xf32, #tpu.memory_space<hbm>> -> memref<40x1024xf32, #tpu.memory_space<hbm>>
    %dma_start3A_302 = arith.constant 0 : i32
    %dma_start3A_303 = arith.constant 0 : i32
    %dma_start3A_304 = tpu.memref_slice %arg6[%dma_start3A_293, %dma_start3A_302, %dma_start3A_303] : memref<3x40x1024xf32, #tpu.memory_space<vmem>> -> memref<1x40x1024xf32, #tpu.memory_space<vmem>>
    %dma_start3A_305 = tpu.memref_squeeze %dma_start3A_304 : memref<1x40x1024xf32, #tpu.memory_space<vmem>> -> memref<40x1024xf32, #tpu.memory_space<vmem>>
    tpu.enqueue_dma source(%dma_start3A_305 : memref<40x1024xf32, #tpu.memory_space<vmem>>) target(%dma_start3A_301 : memref<40x1024xf32, #tpu.memory_space<hbm>>) target_semaphore(%arg12 : memref<!tpu.dma_semaphore, #tpu.memory_space<semaphore_mem>>)
    %add3A_306 = arith.constant 200 : i32
    %add3A_307 = arith.addi %mul3A_2, %add3A_306 : i32
    %dma_wait3A_308 = arith.constant 2 : i32
    %dma_wait3A_309 = arith.constant 0 : i32
    %dma_wait3A_310 = arith.constant 0 : i32
    %dma_wait3A_311 = tpu.memref_slice %arg6[%dma_wait3A_308, %dma_wait3A_309, %dma_wait3A_310] : memref<3x40x1024xf32, #tpu.memory_space<vmem>> -> memref<1x40x1024xf32, #tpu.memory_space<vmem>>
    %dma_wait3A_312 = tpu.memref_squeeze %dma_wait3A_311 : memref<1x40x1024xf32, #tpu.memory_space<vmem>> -> memref<40x1024xf32, #tpu.memory_space<vmem>>
    %dma_wait3A_313 = arith.constant 0 : i32
    %dma_wait3A_314 = tpu.memref_slice %arg4[%add3A_307, %dma_wait3A_313] : memref<16384x1024xf32, #tpu.memory_space<hbm>> -> memref<40x1024xf32, #tpu.memory_space<hbm>>
    %dma_wait3A_315 = arith.constant 0 : i32
    %dma_wait3A_316 = tpu.memref_slice %arg4[%add3A_307, %dma_wait3A_315] : memref<16384x1024xf32, #tpu.memory_space<hbm>> -> memref<40x1024xf32, #tpu.memory_space<hbm>>
    %dma_wait3A_317 = arith.constant 0 : i32
    %dma_wait3A_318 = arith.constant 0 : i32
    %dma_wait3A_319 = tpu.memref_slice %arg6[%dma_wait3A_308, %dma_wait3A_317, %dma_wait3A_318] : memref<3x40x1024xf32, #tpu.memory_space<vmem>> -> memref<1x40x1024xf32, #tpu.memory_space<vmem>>
    %dma_wait3A_320 = tpu.memref_squeeze %dma_wait3A_319 : memref<1x40x1024xf32, #tpu.memory_space<vmem>> -> memref<40x1024xf32, #tpu.memory_space<vmem>>
    tpu.wait_dma2 semaphore(%arg12 : memref<!tpu.dma_semaphore, #tpu.memory_space<semaphore_mem>>) src(%dma_wait3A_320 : memref<40x1024xf32, #tpu.memory_space<vmem>>) dst(%dma_wait3A_316 : memref<40x1024xf32, #tpu.memory_space<hbm>>)
    %dma_start3A_321 = arith.constant 2 : i32
    %dma_start3A_322 = arith.constant 0 : i32
    %dma_start3A_323 = arith.constant 0 : i32
    %dma_start3A_324 = tpu.memref_slice %arg6[%dma_start3A_321, %dma_start3A_322, %dma_start3A_323] : memref<3x40x1024xf32, #tpu.memory_space<vmem>> -> memref<1x40x1024xf32, #tpu.memory_space<vmem>>
    %dma_start3A_325 = tpu.memref_squeeze %dma_start3A_324 : memref<1x40x1024xf32, #tpu.memory_space<vmem>> -> memref<40x1024xf32, #tpu.memory_space<vmem>>
    %dma_start3A_326 = arith.constant 320 : i32
    %dma_start3A_327 = tpu.memref_slice %arg5[%dma_start3A_326] : memref<512xi32, #tpu.memory_space<vmem>> -> memref<40xi32, #tpu.memory_space<vmem>>
    %dma_start3A_328 = arith.constant 0 : i32
    %dma_start3A_329 = arith.constant 0 : i32
    %dma_start3A_330 = tpu.memref_slice %arg3[%dma_start3A_328, %dma_start3A_329] : memref<100000x1024xf32, #tpu.memory_space<hbm>> -> memref<100000x1024xf32, #tpu.memory_space<hbm>>
    tpu.enqueue_indirect_dma source(%dma_start3A_330 : memref<100000x1024xf32, #tpu.memory_space<hbm>>) target(%dma_start3A_325 : memref<40x1024xf32, #tpu.memory_space<vmem>>) offsets(%dma_start3A_327 : memref<40xi32, #tpu.memory_space<vmem>>) semaphore(%arg9 : memref<!tpu.dma_semaphore, #tpu.memory_space<semaphore_mem>>)
    %dma_wait3A_331 = arith.constant 0 : i32
    %dma_wait3A_332 = arith.constant 0 : i32
    %dma_wait3A_333 = arith.constant 0 : i32
    %dma_wait3A_334 = tpu.memref_slice %arg6[%dma_wait3A_331, %dma_wait3A_332, %dma_wait3A_333] : memref<3x40x1024xf32, #tpu.memory_space<vmem>> -> memref<1x40x1024xf32, #tpu.memory_space<vmem>>
    %dma_wait3A_335 = tpu.memref_squeeze %dma_wait3A_334 : memref<1x40x1024xf32, #tpu.memory_space<vmem>> -> memref<40x1024xf32, #tpu.memory_space<vmem>>
    %dma_wait3A_336 = arith.constant 240 : i32
    %dma_wait3A_337 = tpu.memref_slice %arg5[%dma_wait3A_336] : memref<512xi32, #tpu.memory_space<vmem>> -> memref<40xi32, #tpu.memory_space<vmem>>
    %dma_wait3A_338 = arith.constant 0 : i32
    %dma_wait3A_339 = arith.constant 0 : i32
    %dma_wait3A_340 = tpu.memref_slice %arg3[%dma_wait3A_338, %dma_wait3A_339] : memref<100000x1024xf32, #tpu.memory_space<hbm>> -> memref<100000x1024xf32, #tpu.memory_space<hbm>>
    tpu.wait_indirect_dma semaphore(%arg7 : memref<!tpu.dma_semaphore, #tpu.memory_space<semaphore_mem>>) src(%dma_wait3A_340 : memref<100000x1024xf32, #tpu.memory_space<hbm>>) dst(%dma_wait3A_335 : memref<40x1024xf32, #tpu.memory_space<vmem>>)
    %add3A_341 = arith.constant 240 : i32
    %add3A_342 = arith.addi %mul3A_2, %add3A_341 : i32
    %dma_start3A_343 = arith.constant 0 : i32
    %dma_start3A_344 = arith.constant 0 : i32
    %dma_start3A_345 = arith.constant 0 : i32
    %dma_start3A_346 = tpu.memref_slice %arg6[%dma_start3A_343, %dma_start3A_344, %dma_start3A_345] : memref<3x40x1024xf32, #tpu.memory_space<vmem>> -> memref<1x40x1024xf32, #tpu.memory_space<vmem>>
    %dma_start3A_347 = tpu.memref_squeeze %dma_start3A_346 : memref<1x40x1024xf32, #tpu.memory_space<vmem>> -> memref<40x1024xf32, #tpu.memory_space<vmem>>
    %dma_start3A_348 = arith.constant 0 : i32
    %dma_start3A_349 = tpu.memref_slice %arg4[%add3A_342, %dma_start3A_348] : memref<16384x1024xf32, #tpu.memory_space<hbm>> -> memref<40x1024xf32, #tpu.memory_space<hbm>>
    %dma_start3A_350 = arith.constant 0 : i32
    %dma_start3A_351 = tpu.memref_slice %arg4[%add3A_342, %dma_start3A_350] : memref<16384x1024xf32, #tpu.memory_space<hbm>> -> memref<40x1024xf32, #tpu.memory_space<hbm>>
    %dma_start3A_352 = arith.constant 0 : i32
    %dma_start3A_353 = arith.constant 0 : i32
    %dma_start3A_354 = tpu.memref_slice %arg6[%dma_start3A_343, %dma_start3A_352, %dma_start3A_353] : memref<3x40x1024xf32, #tpu.memory_space<vmem>> -> memref<1x40x1024xf32, #tpu.memory_space<vmem>>
    %dma_start3A_355 = tpu.memref_squeeze %dma_start3A_354 : memref<1x40x1024xf32, #tpu.memory_space<vmem>> -> memref<40x1024xf32, #tpu.memory_space<vmem>>
    tpu.enqueue_dma source(%dma_start3A_355 : memref<40x1024xf32, #tpu.memory_space<vmem>>) target(%dma_start3A_351 : memref<40x1024xf32, #tpu.memory_space<hbm>>) target_semaphore(%arg10 : memref<!tpu.dma_semaphore, #tpu.memory_space<semaphore_mem>>)
    %add3A_356 = arith.constant 240 : i32
    %add3A_357 = arith.addi %mul3A_2, %add3A_356 : i32
    %dma_wait3A_358 = arith.constant 0 : i32
    %dma_wait3A_359 = arith.constant 0 : i32
    %dma_wait3A_360 = arith.constant 0 : i32
    %dma_wait3A_361 = tpu.memref_slice %arg6[%dma_wait3A_358, %dma_wait3A_359, %dma_wait3A_360] : memref<3x40x1024xf32, #tpu.memory_space<vmem>> -> memref<1x40x1024xf32, #tpu.memory_space<vmem>>
    %dma_wait3A_362 = tpu.memref_squeeze %dma_wait3A_361 : memref<1x40x1024xf32, #tpu.memory_space<vmem>> -> memref<40x1024xf32, #tpu.memory_space<vmem>>
    %dma_wait3A_363 = arith.constant 0 : i32
    %dma_wait3A_364 = tpu.memref_slice %arg4[%add3A_357, %dma_wait3A_363] : memref<16384x1024xf32, #tpu.memory_space<hbm>> -> memref<40x1024xf32, #tpu.memory_space<hbm>>
    %dma_wait3A_365 = arith.constant 0 : i32
    %dma_wait3A_366 = tpu.memref_slice %arg4[%add3A_357, %dma_wait3A_365] : memref<16384x1024xf32, #tpu.memory_space<hbm>> -> memref<40x1024xf32, #tpu.memory_space<hbm>>
    %dma_wait3A_367 = arith.constant 0 : i32
    %dma_wait3A_368 = arith.constant 0 : i32
    %dma_wait3A_369 = tpu.memref_slice %arg6[%dma_wait3A_358, %dma_wait3A_367, %dma_wait3A_368] : memref<3x40x1024xf32, #tpu.memory_space<vmem>> -> memref<1x40x1024xf32, #tpu.memory_space<vmem>>
    %dma_wait3A_370 = tpu.memref_squeeze %dma_wait3A_369 : memref<1x40x1024xf32, #tpu.memory_space<vmem>> -> memref<40x1024xf32, #tpu.memory_space<vmem>>
    tpu.wait_dma2 semaphore(%arg10 : memref<!tpu.dma_semaphore, #tpu.memory_space<semaphore_mem>>) src(%dma_wait3A_370 : memref<40x1024xf32, #tpu.memory_space<vmem>>) dst(%dma_wait3A_366 : memref<40x1024xf32, #tpu.memory_space<hbm>>)
    %dma_start3A_371 = arith.constant 0 : i32
    %dma_start3A_372 = arith.constant 0 : i32
    %dma_start3A_373 = arith.constant 0 : i32
    %dma_start3A_374 = tpu.memref_slice %arg6[%dma_start3A_371, %dma_start3A_372, %dma_start3A_373] : memref<3x40x1024xf32, #tpu.memory_space<vmem>> -> memref<1x40x1024xf32, #tpu.memory_space<vmem>>
    %dma_start3A_375 = tpu.memref_squeeze %dma_start3A_374 : memref<1x40x1024xf32, #tpu.memory_space<vmem>> -> memref<40x1024xf32, #tpu.memory_space<vmem>>
    %dma_start3A_376 = arith.constant 360 : i32
    %dma_start3A_377 = tpu.memref_slice %arg5[%dma_start3A_376] : memref<512xi32, #tpu.memory_space<vmem>> -> memref<40xi32, #tpu.memory_space<vmem>>
    %dma_start3A_378 = arith.constant 0 : i32
    %dma_start3A_379 = arith.constant 0 : i32
    %dma_start3A_380 = tpu.memref_slice %arg3[%dma_start3A_378, %dma_start3A_379] : memref<100000x1024xf32, #tpu.memory_space<hbm>> -> memref<100000x1024xf32, #tpu.memory_space<hbm>>
    tpu.enqueue_indirect_dma source(%dma_start3A_380 : memref<100000x1024xf32, #tpu.memory_space<hbm>>) target(%dma_start3A_375 : memref<40x1024xf32, #tpu.memory_space<vmem>>) offsets(%dma_start3A_377 : memref<40xi32, #tpu.memory_space<vmem>>) semaphore(%arg7 : memref<!tpu.dma_semaphore, #tpu.memory_space<semaphore_mem>>)
    %dma_wait3A_381 = arith.constant 1 : i32
    %dma_wait3A_382 = arith.constant 0 : i32
    %dma_wait3A_383 = arith.constant 0 : i32
    %dma_wait3A_384 = tpu.memref_slice %arg6[%dma_wait3A_381, %dma_wait3A_382, %dma_wait3A_383] : memref<3x40x1024xf32, #tpu.memory_space<vmem>> -> memref<1x40x1024xf32, #tpu.memory_space<vmem>>
    %dma_wait3A_385 = tpu.memref_squeeze %dma_wait3A_384 : memref<1x40x1024xf32, #tpu.memory_space<vmem>> -> memref<40x1024xf32, #tpu.memory_space<vmem>>
    %dma_wait3A_386 = arith.constant 280 : i32
    %dma_wait3A_387 = tpu.memref_slice %arg5[%dma_wait3A_386] : memref<512xi32, #tpu.memory_space<vmem>> -> memref<40xi32, #tpu.memory_space<vmem>>
    %dma_wait3A_388 = arith.constant 0 : i32
    %dma_wait3A_389 = arith.constant 0 : i32
    %dma_wait3A_390 = tpu.memref_slice %arg3[%dma_wait3A_388, %dma_wait3A_389] : memref<100000x1024xf32, #tpu.memory_space<hbm>> -> memref<100000x1024xf32, #tpu.memory_space<hbm>>
    tpu.wait_indirect_dma semaphore(%arg8 : memref<!tpu.dma_semaphore, #tpu.memory_space<semaphore_mem>>) src(%dma_wait3A_390 : memref<100000x1024xf32, #tpu.memory_space<hbm>>) dst(%dma_wait3A_385 : memref<40x1024xf32, #tpu.memory_space<vmem>>)
    %add3A_391 = arith.constant 280 : i32
    %add3A_392 = arith.addi %mul3A_2, %add3A_391 : i32
    %dma_start3A_393 = arith.constant 1 : i32
    %dma_start3A_394 = arith.constant 0 : i32
    %dma_start3A_395 = arith.constant 0 : i32
    %dma_start3A_396 = tpu.memref_slice %arg6[%dma_start3A_393, %dma_start3A_394, %dma_start3A_395] : memref<3x40x1024xf32, #tpu.memory_space<vmem>> -> memref<1x40x1024xf32, #tpu.memory_space<vmem>>
    %dma_start3A_397 = tpu.memref_squeeze %dma_start3A_396 : memref<1x40x1024xf32, #tpu.memory_space<vmem>> -> memref<40x1024xf32, #tpu.memory_space<vmem>>
    %dma_start3A_398 = arith.constant 0 : i32
    %dma_start3A_399 = tpu.memref_slice %arg4[%add3A_392, %dma_start3A_398] : memref<16384x1024xf32, #tpu.memory_space<hbm>> -> memref<40x1024xf32, #tpu.memory_space<hbm>>
    %dma_start3A_400 = arith.constant 0 : i32
    %dma_start3A_401 = tpu.memref_slice %arg4[%add3A_392, %dma_start3A_400] : memref<16384x1024xf32, #tpu.memory_space<hbm>> -> memref<40x1024xf32, #tpu.memory_space<hbm>>
    %dma_start3A_402 = arith.constant 0 : i32
    %dma_start3A_403 = arith.constant 0 : i32
    %dma_start3A_404 = tpu.memref_slice %arg6[%dma_start3A_393, %dma_start3A_402, %dma_start3A_403] : memref<3x40x1024xf32, #tpu.memory_space<vmem>> -> memref<1x40x1024xf32, #tpu.memory_space<vmem>>
    %dma_start3A_405 = tpu.memref_squeeze %dma_start3A_404 : memref<1x40x1024xf32, #tpu.memory_space<vmem>> -> memref<40x1024xf32, #tpu.memory_space<vmem>>
    tpu.enqueue_dma source(%dma_start3A_405 : memref<40x1024xf32, #tpu.memory_space<vmem>>) target(%dma_start3A_401 : memref<40x1024xf32, #tpu.memory_space<hbm>>) target_semaphore(%arg11 : memref<!tpu.dma_semaphore, #tpu.memory_space<semaphore_mem>>)
    %add3A_406 = arith.constant 280 : i32
    %add3A_407 = arith.addi %mul3A_2, %add3A_406 : i32
    %dma_wait3A_408 = arith.constant 1 : i32
    %dma_wait3A_409 = arith.constant 0 : i32
    %dma_wait3A_410 = arith.constant 0 : i32
    %dma_wait3A_411 = tpu.memref_slice %arg6[%dma_wait3A_408, %dma_wait3A_409, %dma_wait3A_410] : memref<3x40x1024xf32, #tpu.memory_space<vmem>> -> memref<1x40x1024xf32, #tpu.memory_space<vmem>>
    %dma_wait3A_412 = tpu.memref_squeeze %dma_wait3A_411 : memref<1x40x1024xf32, #tpu.memory_space<vmem>> -> memref<40x1024xf32, #tpu.memory_space<vmem>>
    %dma_wait3A_413 = arith.constant 0 : i32
    %dma_wait3A_414 = tpu.memref_slice %arg4[%add3A_407, %dma_wait3A_413] : memref<16384x1024xf32, #tpu.memory_space<hbm>> -> memref<40x1024xf32, #tpu.memory_space<hbm>>
    %dma_wait3A_415 = arith.constant 0 : i32
    %dma_wait3A_416 = tpu.memref_slice %arg4[%add3A_407, %dma_wait3A_415] : memref<16384x1024xf32, #tpu.memory_space<hbm>> -> memref<40x1024xf32, #tpu.memory_space<hbm>>
    %dma_wait3A_417 = arith.constant 0 : i32
    %dma_wait3A_418 = arith.constant 0 : i32
    %dma_wait3A_419 = tpu.memref_slice %arg6[%dma_wait3A_408, %dma_wait3A_417, %dma_wait3A_418] : memref<3x40x1024xf32, #tpu.memory_space<vmem>> -> memref<1x40x1024xf32, #tpu.memory_space<vmem>>
    %dma_wait3A_420 = tpu.memref_squeeze %dma_wait3A_419 : memref<1x40x1024xf32, #tpu.memory_space<vmem>> -> memref<40x1024xf32, #tpu.memory_space<vmem>>
    tpu.wait_dma2 semaphore(%arg11 : memref<!tpu.dma_semaphore, #tpu.memory_space<semaphore_mem>>) src(%dma_wait3A_420 : memref<40x1024xf32, #tpu.memory_space<vmem>>) dst(%dma_wait3A_416 : memref<40x1024xf32, #tpu.memory_space<hbm>>)
    %dma_start3A_421 = arith.constant 1 : i32
    %dma_start3A_422 = arith.constant 0 : i32
    %dma_start3A_423 = arith.constant 0 : i32
    %dma_start3A_424 = tpu.memref_slice %arg6[%dma_start3A_421, %dma_start3A_422, %dma_start3A_423] : memref<3x40x1024xf32, #tpu.memory_space<vmem>> -> memref<1x40x1024xf32, #tpu.memory_space<vmem>>
    %dma_start3A_425 = tpu.memref_squeeze %dma_start3A_424 : memref<1x40x1024xf32, #tpu.memory_space<vmem>> -> memref<40x1024xf32, #tpu.memory_space<vmem>>
    %dma_start3A_426 = arith.constant 400 : i32
    %dma_start3A_427 = tpu.memref_slice %arg5[%dma_start3A_426] : memref<512xi32, #tpu.memory_space<vmem>> -> memref<40xi32, #tpu.memory_space<vmem>>
    %dma_start3A_428 = arith.constant 0 : i32
    %dma_start3A_429 = arith.constant 0 : i32
    %dma_start3A_430 = tpu.memref_slice %arg3[%dma_start3A_428, %dma_start3A_429] : memref<100000x1024xf32, #tpu.memory_space<hbm>> -> memref<100000x1024xf32, #tpu.memory_space<hbm>>
    tpu.enqueue_indirect_dma source(%dma_start3A_430 : memref<100000x1024xf32, #tpu.memory_space<hbm>>) target(%dma_start3A_425 : memref<40x1024xf32, #tpu.memory_space<vmem>>) offsets(%dma_start3A_427 : memref<40xi32, #tpu.memory_space<vmem>>) semaphore(%arg8 : memref<!tpu.dma_semaphore, #tpu.memory_space<semaphore_mem>>)
    %dma_wait3A_431 = arith.constant 2 : i32
    %dma_wait3A_432 = arith.constant 0 : i32
    %dma_wait3A_433 = arith.constant 0 : i32
    %dma_wait3A_434 = tpu.memref_slice %arg6[%dma_wait3A_431, %dma_wait3A_432, %dma_wait3A_433] : memref<3x40x1024xf32, #tpu.memory_space<vmem>> -> memref<1x40x1024xf32, #tpu.memory_space<vmem>>
    %dma_wait3A_435 = tpu.memref_squeeze %dma_wait3A_434 : memref<1x40x1024xf32, #tpu.memory_space<vmem>> -> memref<40x1024xf32, #tpu.memory_space<vmem>>
    %dma_wait3A_436 = arith.constant 320 : i32
    %dma_wait3A_437 = tpu.memref_slice %arg5[%dma_wait3A_436] : memref<512xi32, #tpu.memory_space<vmem>> -> memref<40xi32, #tpu.memory_space<vmem>>
    %dma_wait3A_438 = arith.constant 0 : i32
    %dma_wait3A_439 = arith.constant 0 : i32
    %dma_wait3A_440 = tpu.memref_slice %arg3[%dma_wait3A_438, %dma_wait3A_439] : memref<100000x1024xf32, #tpu.memory_space<hbm>> -> memref<100000x1024xf32, #tpu.memory_space<hbm>>
    tpu.wait_indirect_dma semaphore(%arg9 : memref<!tpu.dma_semaphore, #tpu.memory_space<semaphore_mem>>) src(%dma_wait3A_440 : memref<100000x1024xf32, #tpu.memory_space<hbm>>) dst(%dma_wait3A_435 : memref<40x1024xf32, #tpu.memory_space<vmem>>)
    %add3A_441 = arith.constant 320 : i32
    %add3A_442 = arith.addi %mul3A_2, %add3A_441 : i32
    %dma_start3A_443 = arith.constant 2 : i32
    %dma_start3A_444 = arith.constant 0 : i32
    %dma_start3A_445 = arith.constant 0 : i32
    %dma_start3A_446 = tpu.memref_slice %arg6[%dma_start3A_443, %dma_start3A_444, %dma_start3A_445] : memref<3x40x1024xf32, #tpu.memory_space<vmem>> -> memref<1x40x1024xf32, #tpu.memory_space<vmem>>
    %dma_start3A_447 = tpu.memref_squeeze %dma_start3A_446 : memref<1x40x1024xf32, #tpu.memory_space<vmem>> -> memref<40x1024xf32, #tpu.memory_space<vmem>>
    %dma_start3A_448 = arith.constant 0 : i32
    %dma_start3A_449 = tpu.memref_slice %arg4[%add3A_442, %dma_start3A_448] : memref<16384x1024xf32, #tpu.memory_space<hbm>> -> memref<40x1024xf32, #tpu.memory_space<hbm>>
    %dma_start3A_450 = arith.constant 0 : i32
    %dma_start3A_451 = tpu.memref_slice %arg4[%add3A_442, %dma_start3A_450] : memref<16384x1024xf32, #tpu.memory_space<hbm>> -> memref<40x1024xf32, #tpu.memory_space<hbm>>
    %dma_start3A_452 = arith.constant 0 : i32
    %dma_start3A_453 = arith.constant 0 : i32
    %dma_start3A_454 = tpu.memref_slice %arg6[%dma_start3A_443, %dma_start3A_452, %dma_start3A_453] : memref<3x40x1024xf32, #tpu.memory_space<vmem>> -> memref<1x40x1024xf32, #tpu.memory_space<vmem>>
    %dma_start3A_455 = tpu.memref_squeeze %dma_start3A_454 : memref<1x40x1024xf32, #tpu.memory_space<vmem>> -> memref<40x1024xf32, #tpu.memory_space<vmem>>
    tpu.enqueue_dma source(%dma_start3A_455 : memref<40x1024xf32, #tpu.memory_space<vmem>>) target(%dma_start3A_451 : memref<40x1024xf32, #tpu.memory_space<hbm>>) target_semaphore(%arg12 : memref<!tpu.dma_semaphore, #tpu.memory_space<semaphore_mem>>)
    %add3A_456 = arith.constant 320 : i32
    %add3A_457 = arith.addi %mul3A_2, %add3A_456 : i32
    %dma_wait3A_458 = arith.constant 2 : i32
    %dma_wait3A_459 = arith.constant 0 : i32
    %dma_wait3A_460 = arith.constant 0 : i32
    %dma_wait3A_461 = tpu.memref_slice %arg6[%dma_wait3A_458, %dma_wait3A_459, %dma_wait3A_460] : memref<3x40x1024xf32, #tpu.memory_space<vmem>> -> memref<1x40x1024xf32, #tpu.memory_space<vmem>>
    %dma_wait3A_462 = tpu.memref_squeeze %dma_wait3A_461 : memref<1x40x1024xf32, #tpu.memory_space<vmem>> -> memref<40x1024xf32, #tpu.memory_space<vmem>>
    %dma_wait3A_463 = arith.constant 0 : i32
    %dma_wait3A_464 = tpu.memref_slice %arg4[%add3A_457, %dma_wait3A_463] : memref<16384x1024xf32, #tpu.memory_space<hbm>> -> memref<40x1024xf32, #tpu.memory_space<hbm>>
    %dma_wait3A_465 = arith.constant 0 : i32
    %dma_wait3A_466 = tpu.memref_slice %arg4[%add3A_457, %dma_wait3A_465] : memref<16384x1024xf32, #tpu.memory_space<hbm>> -> memref<40x1024xf32, #tpu.memory_space<hbm>>
    %dma_wait3A_467 = arith.constant 0 : i32
    %dma_wait3A_468 = arith.constant 0 : i32
    %dma_wait3A_469 = tpu.memref_slice %arg6[%dma_wait3A_458, %dma_wait3A_467, %dma_wait3A_468] : memref<3x40x1024xf32, #tpu.memory_space<vmem>> -> memref<1x40x1024xf32, #tpu.memory_space<vmem>>
    %dma_wait3A_470 = tpu.memref_squeeze %dma_wait3A_469 : memref<1x40x1024xf32, #tpu.memory_space<vmem>> -> memref<40x1024xf32, #tpu.memory_space<vmem>>
    tpu.wait_dma2 semaphore(%arg12 : memref<!tpu.dma_semaphore, #tpu.memory_space<semaphore_mem>>) src(%dma_wait3A_470 : memref<40x1024xf32, #tpu.memory_space<vmem>>) dst(%dma_wait3A_466 : memref<40x1024xf32, #tpu.memory_space<hbm>>)
    %dma_start3A_471 = arith.constant 2 : i32
    %dma_start3A_472 = arith.constant 0 : i32
    %dma_start3A_473 = arith.constant 0 : i32
    %dma_start3A_474 = tpu.memref_slice %arg6[%dma_start3A_471, %dma_start3A_472, %dma_start3A_473] : memref<3x40x1024xf32, #tpu.memory_space<vmem>> -> memref<1x40x1024xf32, #tpu.memory_space<vmem>>
    %dma_start3A_475 = tpu.memref_squeeze %dma_start3A_474 : memref<1x40x1024xf32, #tpu.memory_space<vmem>> -> memref<40x1024xf32, #tpu.memory_space<vmem>>
    %dma_start3A_476 = arith.constant 440 : i32
    %dma_start3A_477 = tpu.memref_slice %arg5[%dma_start3A_476] : memref<512xi32, #tpu.memory_space<vmem>> -> memref<40xi32, #tpu.memory_space<vmem>>
    %dma_start3A_478 = arith.constant 0 : i32
    %dma_start3A_479 = arith.constant 0 : i32
    %dma_start3A_480 = tpu.memref_slice %arg3[%dma_start3A_478, %dma_start3A_479] : memref<100000x1024xf32, #tpu.memory_space<hbm>> -> memref<100000x1024xf32, #tpu.memory_space<hbm>>
    tpu.enqueue_indirect_dma source(%dma_start3A_480 : memref<100000x1024xf32, #tpu.memory_space<hbm>>) target(%dma_start3A_475 : memref<40x1024xf32, #tpu.memory_space<vmem>>) offsets(%dma_start3A_477 : memref<40xi32, #tpu.memory_space<vmem>>) semaphore(%arg9 : memref<!tpu.dma_semaphore, #tpu.memory_space<semaphore_mem>>)
    %dma_wait3A_481 = arith.constant 0 : i32
    %dma_wait3A_482 = arith.constant 0 : i32
    %dma_wait3A_483 = arith.constant 0 : i32
    %dma_wait3A_484 = tpu.memref_slice %arg6[%dma_wait3A_481, %dma_wait3A_482, %dma_wait3A_483] : memref<3x40x1024xf32, #tpu.memory_space<vmem>> -> memref<1x40x1024xf32, #tpu.memory_space<vmem>>
    %dma_wait3A_485 = tpu.memref_squeeze %dma_wait3A_484 : memref<1x40x1024xf32, #tpu.memory_space<vmem>> -> memref<40x1024xf32, #tpu.memory_space<vmem>>
    %dma_wait3A_486 = arith.constant 360 : i32
    %dma_wait3A_487 = tpu.memref_slice %arg5[%dma_wait3A_486] : memref<512xi32, #tpu.memory_space<vmem>> -> memref<40xi32, #tpu.memory_space<vmem>>
    %dma_wait3A_488 = arith.constant 0 : i32
    %dma_wait3A_489 = arith.constant 0 : i32
    %dma_wait3A_490 = tpu.memref_slice %arg3[%dma_wait3A_488, %dma_wait3A_489] : memref<100000x1024xf32, #tpu.memory_space<hbm>> -> memref<100000x1024xf32, #tpu.memory_space<hbm>>
    tpu.wait_indirect_dma semaphore(%arg7 : memref<!tpu.dma_semaphore, #tpu.memory_space<semaphore_mem>>) src(%dma_wait3A_490 : memref<100000x1024xf32, #tpu.memory_space<hbm>>) dst(%dma_wait3A_485 : memref<40x1024xf32, #tpu.memory_space<vmem>>)
    %add3A_491 = arith.constant 360 : i32
    %add3A_492 = arith.addi %mul3A_2, %add3A_491 : i32
    %dma_start3A_493 = arith.constant 0 : i32
    %dma_start3A_494 = arith.constant 0 : i32
    %dma_start3A_495 = arith.constant 0 : i32
    %dma_start3A_496 = tpu.memref_slice %arg6[%dma_start3A_493, %dma_start3A_494, %dma_start3A_495] : memref<3x40x1024xf32, #tpu.memory_space<vmem>> -> memref<1x40x1024xf32, #tpu.memory_space<vmem>>
    %dma_start3A_497 = tpu.memref_squeeze %dma_start3A_496 : memref<1x40x1024xf32, #tpu.memory_space<vmem>> -> memref<40x1024xf32, #tpu.memory_space<vmem>>
    %dma_start3A_498 = arith.constant 0 : i32
    %dma_start3A_499 = tpu.memref_slice %arg4[%add3A_492, %dma_start3A_498] : memref<16384x1024xf32, #tpu.memory_space<hbm>> -> memref<40x1024xf32, #tpu.memory_space<hbm>>
    %dma_start3A_500 = arith.constant 0 : i32
    %dma_start3A_501 = tpu.memref_slice %arg4[%add3A_492, %dma_start3A_500] : memref<16384x1024xf32, #tpu.memory_space<hbm>> -> memref<40x1024xf32, #tpu.memory_space<hbm>>
    %dma_start3A_502 = arith.constant 0 : i32
    %dma_start3A_503 = arith.constant 0 : i32
    %dma_start3A_504 = tpu.memref_slice %arg6[%dma_start3A_493, %dma_start3A_502, %dma_start3A_503] : memref<3x40x1024xf32, #tpu.memory_space<vmem>> -> memref<1x40x1024xf32, #tpu.memory_space<vmem>>
    %dma_start3A_505 = tpu.memref_squeeze %dma_start3A_504 : memref<1x40x1024xf32, #tpu.memory_space<vmem>> -> memref<40x1024xf32, #tpu.memory_space<vmem>>
    tpu.enqueue_dma source(%dma_start3A_505 : memref<40x1024xf32, #tpu.memory_space<vmem>>) target(%dma_start3A_501 : memref<40x1024xf32, #tpu.memory_space<hbm>>) target_semaphore(%arg10 : memref<!tpu.dma_semaphore, #tpu.memory_space<semaphore_mem>>)
    %add3A_506 = arith.constant 360 : i32
    %add3A_507 = arith.addi %mul3A_2, %add3A_506 : i32
    %dma_wait3A_508 = arith.constant 0 : i32
    %dma_wait3A_509 = arith.constant 0 : i32
    %dma_wait3A_510 = arith.constant 0 : i32
    %dma_wait3A_511 = tpu.memref_slice %arg6[%dma_wait3A_508, %dma_wait3A_509, %dma_wait3A_510] : memref<3x40x1024xf32, #tpu.memory_space<vmem>> -> memref<1x40x1024xf32, #tpu.memory_space<vmem>>
    %dma_wait3A_512 = tpu.memref_squeeze %dma_wait3A_511 : memref<1x40x1024xf32, #tpu.memory_space<vmem>> -> memref<40x1024xf32, #tpu.memory_space<vmem>>
    %dma_wait3A_513 = arith.constant 0 : i32
    %dma_wait3A_514 = tpu.memref_slice %arg4[%add3A_507, %dma_wait3A_513] : memref<16384x1024xf32, #tpu.memory_space<hbm>> -> memref<40x1024xf32, #tpu.memory_space<hbm>>
    %dma_wait3A_515 = arith.constant 0 : i32
    %dma_wait3A_516 = tpu.memref_slice %arg4[%add3A_507, %dma_wait3A_515] : memref<16384x1024xf32, #tpu.memory_space<hbm>> -> memref<40x1024xf32, #tpu.memory_space<hbm>>
    %dma_wait3A_517 = arith.constant 0 : i32
    %dma_wait3A_518 = arith.constant 0 : i32
    %dma_wait3A_519 = tpu.memref_slice %arg6[%dma_wait3A_508, %dma_wait3A_517, %dma_wait3A_518] : memref<3x40x1024xf32, #tpu.memory_space<vmem>> -> memref<1x40x1024xf32, #tpu.memory_space<vmem>>
    %dma_wait3A_520 = tpu.memref_squeeze %dma_wait3A_519 : memref<1x40x1024xf32, #tpu.memory_space<vmem>> -> memref<40x1024xf32, #tpu.memory_space<vmem>>
    tpu.wait_dma2 semaphore(%arg10 : memref<!tpu.dma_semaphore, #tpu.memory_space<semaphore_mem>>) src(%dma_wait3A_520 : memref<40x1024xf32, #tpu.memory_space<vmem>>) dst(%dma_wait3A_516 : memref<40x1024xf32, #tpu.memory_space<hbm>>)
    %dma_start3A_521 = arith.constant 0 : i32
    %dma_start3A_522 = arith.constant 0 : i32
    %dma_start3A_523 = arith.constant 0 : i32
    %dma_start3A_524 = tpu.memref_slice %arg6[%dma_start3A_521, %dma_start3A_522, %dma_start3A_523] : memref<3x40x1024xf32, #tpu.memory_space<vmem>> -> memref<1x32x1024xf32, #tpu.memory_space<vmem>>
    %dma_start3A_525 = tpu.memref_squeeze %dma_start3A_524 : memref<1x32x1024xf32, #tpu.memory_space<vmem>> -> memref<32x1024xf32, #tpu.memory_space<vmem>>
    %dma_start3A_526 = arith.constant 480 : i32
    %dma_start3A_527 = tpu.memref_slice %arg5[%dma_start3A_526] : memref<512xi32, #tpu.memory_space<vmem>> -> memref<32xi32, #tpu.memory_space<vmem>>
    %dma_start3A_528 = arith.constant 0 : i32
    %dma_start3A_529 = arith.constant 0 : i32
    %dma_start3A_530 = tpu.memref_slice %arg3[%dma_start3A_528, %dma_start3A_529] : memref<100000x1024xf32, #tpu.memory_space<hbm>> -> memref<100000x1024xf32, #tpu.memory_space<hbm>>
    tpu.enqueue_indirect_dma source(%dma_start3A_530 : memref<100000x1024xf32, #tpu.memory_space<hbm>>) target(%dma_start3A_525 : memref<32x1024xf32, #tpu.memory_space<vmem>>) offsets(%dma_start3A_527 : memref<32xi32, #tpu.memory_space<vmem>>) semaphore(%arg7 : memref<!tpu.dma_semaphore, #tpu.memory_space<semaphore_mem>>)
    %dma_wait3A_531 = arith.constant 1 : i32
    %dma_wait3A_532 = arith.constant 0 : i32
    %dma_wait3A_533 = arith.constant 0 : i32
    %dma_wait3A_534 = tpu.memref_slice %arg6[%dma_wait3A_531, %dma_wait3A_532, %dma_wait3A_533] : memref<3x40x1024xf32, #tpu.memory_space<vmem>> -> memref<1x40x1024xf32, #tpu.memory_space<vmem>>
    %dma_wait3A_535 = tpu.memref_squeeze %dma_wait3A_534 : memref<1x40x1024xf32, #tpu.memory_space<vmem>> -> memref<40x1024xf32, #tpu.memory_space<vmem>>
    %dma_wait3A_536 = arith.constant 400 : i32
    %dma_wait3A_537 = tpu.memref_slice %arg5[%dma_wait3A_536] : memref<512xi32, #tpu.memory_space<vmem>> -> memref<40xi32, #tpu.memory_space<vmem>>
    %dma_wait3A_538 = arith.constant 0 : i32
    %dma_wait3A_539 = arith.constant 0 : i32
    %dma_wait3A_540 = tpu.memref_slice %arg3[%dma_wait3A_538, %dma_wait3A_539] : memref<100000x1024xf32, #tpu.memory_space<hbm>> -> memref<100000x1024xf32, #tpu.memory_space<hbm>>
    tpu.wait_indirect_dma semaphore(%arg8 : memref<!tpu.dma_semaphore, #tpu.memory_space<semaphore_mem>>) src(%dma_wait3A_540 : memref<100000x1024xf32, #tpu.memory_space<hbm>>) dst(%dma_wait3A_535 : memref<40x1024xf32, #tpu.memory_space<vmem>>)
    %add3A_541 = arith.constant 400 : i32
    %add3A_542 = arith.addi %mul3A_2, %add3A_541 : i32
    %dma_start3A_543 = arith.constant 1 : i32
    %dma_start3A_544 = arith.constant 0 : i32
    %dma_start3A_545 = arith.constant 0 : i32
    %dma_start3A_546 = tpu.memref_slice %arg6[%dma_start3A_543, %dma_start3A_544, %dma_start3A_545] : memref<3x40x1024xf32, #tpu.memory_space<vmem>> -> memref<1x40x1024xf32, #tpu.memory_space<vmem>>
    %dma_start3A_547 = tpu.memref_squeeze %dma_start3A_546 : memref<1x40x1024xf32, #tpu.memory_space<vmem>> -> memref<40x1024xf32, #tpu.memory_space<vmem>>
    %dma_start3A_548 = arith.constant 0 : i32
    %dma_start3A_549 = tpu.memref_slice %arg4[%add3A_542, %dma_start3A_548] : memref<16384x1024xf32, #tpu.memory_space<hbm>> -> memref<40x1024xf32, #tpu.memory_space<hbm>>
    %dma_start3A_550 = arith.constant 0 : i32
    %dma_start3A_551 = tpu.memref_slice %arg4[%add3A_542, %dma_start3A_550] : memref<16384x1024xf32, #tpu.memory_space<hbm>> -> memref<40x1024xf32, #tpu.memory_space<hbm>>
    %dma_start3A_552 = arith.constant 0 : i32
    %dma_start3A_553 = arith.constant 0 : i32
    %dma_start3A_554 = tpu.memref_slice %arg6[%dma_start3A_543, %dma_start3A_552, %dma_start3A_553] : memref<3x40x1024xf32, #tpu.memory_space<vmem>> -> memref<1x40x1024xf32, #tpu.memory_space<vmem>>
    %dma_start3A_555 = tpu.memref_squeeze %dma_start3A_554 : memref<1x40x1024xf32, #tpu.memory_space<vmem>> -> memref<40x1024xf32, #tpu.memory_space<vmem>>
    tpu.enqueue_dma source(%dma_start3A_555 : memref<40x1024xf32, #tpu.memory_space<vmem>>) target(%dma_start3A_551 : memref<40x1024xf32, #tpu.memory_space<hbm>>) target_semaphore(%arg11 : memref<!tpu.dma_semaphore, #tpu.memory_space<semaphore_mem>>)
    %dma_wait3A_556 = arith.constant 2 : i32
    %dma_wait3A_557 = arith.constant 0 : i32
    %dma_wait3A_558 = arith.constant 0 : i32
    %dma_wait3A_559 = tpu.memref_slice %arg6[%dma_wait3A_556, %dma_wait3A_557, %dma_wait3A_558] : memref<3x40x1024xf32, #tpu.memory_space<vmem>> -> memref<1x40x1024xf32, #tpu.memory_space<vmem>>
    %dma_wait3A_560 = tpu.memref_squeeze %dma_wait3A_559 : memref<1x40x1024xf32, #tpu.memory_space<vmem>> -> memref<40x1024xf32, #tpu.memory_space<vmem>>
    %dma_wait3A_561 = arith.constant 440 : i32
    %dma_wait3A_562 = tpu.memref_slice %arg5[%dma_wait3A_561] : memref<512xi32, #tpu.memory_space<vmem>> -> memref<40xi32, #tpu.memory_space<vmem>>
    %dma_wait3A_563 = arith.constant 0 : i32
    %dma_wait3A_564 = arith.constant 0 : i32
    %dma_wait3A_565 = tpu.memref_slice %arg3[%dma_wait3A_563, %dma_wait3A_564] : memref<100000x1024xf32, #tpu.memory_space<hbm>> -> memref<100000x1024xf32, #tpu.memory_space<hbm>>
    tpu.wait_indirect_dma semaphore(%arg9 : memref<!tpu.dma_semaphore, #tpu.memory_space<semaphore_mem>>) src(%dma_wait3A_565 : memref<100000x1024xf32, #tpu.memory_space<hbm>>) dst(%dma_wait3A_560 : memref<40x1024xf32, #tpu.memory_space<vmem>>)
    %add3A_566 = arith.constant 440 : i32
    %add3A_567 = arith.addi %mul3A_2, %add3A_566 : i32
    %dma_start3A_568 = arith.constant 2 : i32
    %dma_start3A_569 = arith.constant 0 : i32
    %dma_start3A_570 = arith.constant 0 : i32
    %dma_start3A_571 = tpu.memref_slice %arg6[%dma_start3A_568, %dma_start3A_569, %dma_start3A_570] : memref<3x40x1024xf32, #tpu.memory_space<vmem>> -> memref<1x40x1024xf32, #tpu.memory_space<vmem>>
    %dma_start3A_572 = tpu.memref_squeeze %dma_start3A_571 : memref<1x40x1024xf32, #tpu.memory_space<vmem>> -> memref<40x1024xf32, #tpu.memory_space<vmem>>
    %dma_start3A_573 = arith.constant 0 : i32
    %dma_start3A_574 = tpu.memref_slice %arg4[%add3A_567, %dma_start3A_573] : memref<16384x1024xf32, #tpu.memory_space<hbm>> -> memref<40x1024xf32, #tpu.memory_space<hbm>>
    %dma_start3A_575 = arith.constant 0 : i32
    %dma_start3A_576 = tpu.memref_slice %arg4[%add3A_567, %dma_start3A_575] : memref<16384x1024xf32, #tpu.memory_space<hbm>> -> memref<40x1024xf32, #tpu.memory_space<hbm>>
    %dma_start3A_577 = arith.constant 0 : i32
    %dma_start3A_578 = arith.constant 0 : i32
    %dma_start3A_579 = tpu.memref_slice %arg6[%dma_start3A_568, %dma_start3A_577, %dma_start3A_578] : memref<3x40x1024xf32, #tpu.memory_space<vmem>> -> memref<1x40x1024xf32, #tpu.memory_space<vmem>>
    %dma_start3A_580 = tpu.memref_squeeze %dma_start3A_579 : memref<1x40x1024xf32, #tpu.memory_space<vmem>> -> memref<40x1024xf32, #tpu.memory_space<vmem>>
    tpu.enqueue_dma source(%dma_start3A_580 : memref<40x1024xf32, #tpu.memory_space<vmem>>) target(%dma_start3A_576 : memref<40x1024xf32, #tpu.memory_space<hbm>>) target_semaphore(%arg12 : memref<!tpu.dma_semaphore, #tpu.memory_space<semaphore_mem>>)
    %dma_wait3A_581 = arith.constant 0 : i32
    %dma_wait3A_582 = arith.constant 0 : i32
    %dma_wait3A_583 = arith.constant 0 : i32
    %dma_wait3A_584 = tpu.memref_slice %arg6[%dma_wait3A_581, %dma_wait3A_582, %dma_wait3A_583] : memref<3x40x1024xf32, #tpu.memory_space<vmem>> -> memref<1x32x1024xf32, #tpu.memory_space<vmem>>
    %dma_wait3A_585 = tpu.memref_squeeze %dma_wait3A_584 : memref<1x32x1024xf32, #tpu.memory_space<vmem>> -> memref<32x1024xf32, #tpu.memory_space<vmem>>
    %dma_wait3A_586 = arith.constant 480 : i32
    %dma_wait3A_587 = tpu.memref_slice %arg5[%dma_wait3A_586] : memref<512xi32, #tpu.memory_space<vmem>> -> memref<32xi32, #tpu.memory_space<vmem>>
    %dma_wait3A_588 = arith.constant 0 : i32
    %dma_wait3A_589 = arith.constant 0 : i32
    %dma_wait3A_590 = tpu.memref_slice %arg3[%dma_wait3A_588, %dma_wait3A_589] : memref<100000x1024xf32, #tpu.memory_space<hbm>> -> memref<100000x1024xf32, #tpu.memory_space<hbm>>
    tpu.wait_indirect_dma semaphore(%arg7 : memref<!tpu.dma_semaphore, #tpu.memory_space<semaphore_mem>>) src(%dma_wait3A_590 : memref<100000x1024xf32, #tpu.memory_space<hbm>>) dst(%dma_wait3A_585 : memref<32x1024xf32, #tpu.memory_space<vmem>>)
    %add3A_591 = arith.constant 480 : i32
    %add3A_592 = arith.addi %mul3A_2, %add3A_591 : i32
    %dma_start3A_593 = arith.constant 0 : i32
    %dma_start3A_594 = arith.constant 0 : i32
    %dma_start3A_595 = arith.constant 0 : i32
    %dma_start3A_596 = tpu.memref_slice %arg6[%dma_start3A_593, %dma_start3A_594, %dma_start3A_595] : memref<3x40x1024xf32, #tpu.memory_space<vmem>> -> memref<1x32x1024xf32, #tpu.memory_space<vmem>>
    %dma_start3A_597 = tpu.memref_squeeze %dma_start3A_596 : memref<1x32x1024xf32, #tpu.memory_space<vmem>> -> memref<32x1024xf32, #tpu.memory_space<vmem>>
    %dma_start3A_598 = arith.constant 0 : i32
    %dma_start3A_599 = tpu.memref_slice %arg4[%add3A_592, %dma_start3A_598] : memref<16384x1024xf32, #tpu.memory_space<hbm>> -> memref<32x1024xf32, #tpu.memory_space<hbm>>
    %dma_start3A_600 = arith.constant 0 : i32
    %dma_start3A_601 = tpu.memref_slice %arg4[%add3A_592, %dma_start3A_600] : memref<16384x1024xf32, #tpu.memory_space<hbm>> -> memref<32x1024xf32, #tpu.memory_space<hbm>>
    %dma_start3A_602 = arith.constant 0 : i32
    %dma_start3A_603 = arith.constant 0 : i32
    %dma_start3A_604 = tpu.memref_slice %arg6[%dma_start3A_593, %dma_start3A_602, %dma_start3A_603] : memref<3x40x1024xf32, #tpu.memory_space<vmem>> -> memref<1x32x1024xf32, #tpu.memory_space<vmem>>
    %dma_start3A_605 = tpu.memref_squeeze %dma_start3A_604 : memref<1x32x1024xf32, #tpu.memory_space<vmem>> -> memref<32x1024xf32, #tpu.memory_space<vmem>>
    tpu.enqueue_dma source(%dma_start3A_605 : memref<32x1024xf32, #tpu.memory_space<vmem>>) target(%dma_start3A_601 : memref<32x1024xf32, #tpu.memory_space<hbm>>) target_semaphore(%arg10 : memref<!tpu.dma_semaphore, #tpu.memory_space<semaphore_mem>>)
    %add3A_606 = arith.constant 400 : i32
    %add3A_607 = arith.addi %mul3A_2, %add3A_606 : i32
    %dma_wait3A_608 = arith.constant 1 : i32
    %dma_wait3A_609 = arith.constant 0 : i32
    %dma_wait3A_610 = arith.constant 0 : i32
    %dma_wait3A_611 = tpu.memref_slice %arg6[%dma_wait3A_608, %dma_wait3A_609, %dma_wait3A_610] : memref<3x40x1024xf32, #tpu.memory_space<vmem>> -> memref<1x40x1024xf32, #tpu.memory_space<vmem>>
    %dma_wait3A_612 = tpu.memref_squeeze %dma_wait3A_611 : memref<1x40x1024xf32, #tpu.memory_space<vmem>> -> memref<40x1024xf32, #tpu.memory_space<vmem>>
    %dma_wait3A_613 = arith.constant 0 : i32
    %dma_wait3A_614 = tpu.memref_slice %arg4[%add3A_607, %dma_wait3A_613] : memref<16384x1024xf32, #tpu.memory_space<hbm>> -> memref<40x1024xf32, #tpu.memory_space<hbm>>
    %dma_wait3A_615 = arith.constant 0 : i32
    %dma_wait3A_616 = tpu.memref_slice %arg4[%add3A_607, %dma_wait3A_615] : memref<16384x1024xf32, #tpu.memory_space<hbm>> -> memref<40x1024xf32, #tpu.memory_space<hbm>>
    %dma_wait3A_617 = arith.constant 0 : i32
    %dma_wait3A_618 = arith.constant 0 : i32
    %dma_wait3A_619 = tpu.memref_slice %arg6[%dma_wait3A_608, %dma_wait3A_617, %dma_wait3A_618] : memref<3x40x1024xf32, #tpu.memory_space<vmem>> -> memref<1x40x1024xf32, #tpu.memory_space<vmem>>
    %dma_wait3A_620 = tpu.memref_squeeze %dma_wait3A_619 : memref<1x40x1024xf32, #tpu.memory_space<vmem>> -> memref<40x1024xf32, #tpu.memory_space<vmem>>
    tpu.wait_dma2 semaphore(%arg11 : memref<!tpu.dma_semaphore, #tpu.memory_space<semaphore_mem>>) src(%dma_wait3A_620 : memref<40x1024xf32, #tpu.memory_space<vmem>>) dst(%dma_wait3A_616 : memref<40x1024xf32, #tpu.memory_space<hbm>>)
    %add3A_621 = arith.constant 440 : i32
    %add3A_622 = arith.addi %mul3A_2, %add3A_621 : i32
    %dma_wait3A_623 = arith.constant 2 : i32
    %dma_wait3A_624 = arith.constant 0 : i32
    %dma_wait3A_625 = arith.constant 0 : i32
    %dma_wait3A_626 = tpu.memref_slice %arg6[%dma_wait3A_623, %dma_wait3A_624, %dma_wait3A_625] : memref<3x40x1024xf32, #tpu.memory_space<vmem>> -> memref<1x40x1024xf32, #tpu.memory_space<vmem>>
    %dma_wait3A_627 = tpu.memref_squeeze %dma_wait3A_626 : memref<1x40x1024xf32, #tpu.memory_space<vmem>> -> memref<40x1024xf32, #tpu.memory_space<vmem>>
    %dma_wait3A_628 = arith.constant 0 : i32
    %dma_wait3A_629 = tpu.memref_slice %arg4[%add3A_622, %dma_wait3A_628] : memref<16384x1024xf32, #tpu.memory_space<hbm>> -> memref<40x1024xf32, #tpu.memory_space<hbm>>
    %dma_wait3A_630 = arith.constant 0 : i32
    %dma_wait3A_631 = tpu.memref_slice %arg4[%add3A_622, %dma_wait3A_630] : memref<16384x1024xf32, #tpu.memory_space<hbm>> -> memref<40x1024xf32, #tpu.memory_space<hbm>>
    %dma_wait3A_632 = arith.constant 0 : i32
    %dma_wait3A_633 = arith.constant 0 : i32
    %dma_wait3A_634 = tpu.memref_slice %arg6[%dma_wait3A_623, %dma_wait3A_632, %dma_wait3A_633] : memref<3x40x1024xf32, #tpu.memory_space<vmem>> -> memref<1x40x1024xf32, #tpu.memory_space<vmem>>
    %dma_wait3A_635 = tpu.memref_squeeze %dma_wait3A_634 : memref<1x40x1024xf32, #tpu.memory_space<vmem>> -> memref<40x1024xf32, #tpu.memory_space<vmem>>
    tpu.wait_dma2 semaphore(%arg12 : memref<!tpu.dma_semaphore, #tpu.memory_space<semaphore_mem>>) src(%dma_wait3A_635 : memref<40x1024xf32, #tpu.memory_space<vmem>>) dst(%dma_wait3A_631 : memref<40x1024xf32, #tpu.memory_space<hbm>>)
    %add3A_636 = arith.constant 480 : i32
    %add3A_637 = arith.addi %mul3A_2, %add3A_636 : i32
    %dma_wait3A_638 = arith.constant 0 : i32
    %dma_wait3A_639 = arith.constant 0 : i32
    %dma_wait3A_640 = arith.constant 0 : i32
    %dma_wait3A_641 = tpu.memref_slice %arg6[%dma_wait3A_638, %dma_wait3A_639, %dma_wait3A_640] : memref<3x40x1024xf32, #tpu.memory_space<vmem>> -> memref<1x32x1024xf32, #tpu.memory_space<vmem>>
    %dma_wait3A_642 = tpu.memref_squeeze %dma_wait3A_641 : memref<1x32x1024xf32, #tpu.memory_space<vmem>> -> memref<32x1024xf32, #tpu.memory_space<vmem>>
    %dma_wait3A_643 = arith.constant 0 : i32
    %dma_wait3A_644 = tpu.memref_slice %arg4[%add3A_637, %dma_wait3A_643] : memref<16384x1024xf32, #tpu.memory_space<hbm>> -> memref<32x1024xf32, #tpu.memory_space<hbm>>
    %dma_wait3A_645 = arith.constant 0 : i32
    %dma_wait3A_646 = tpu.memref_slice %arg4[%add3A_637, %dma_wait3A_645] : memref<16384x1024xf32, #tpu.memory_space<hbm>> -> memref<32x1024xf32, #tpu.memory_space<hbm>>
    %dma_wait3A_647 = arith.constant 0 : i32
    %dma_wait3A_648 = arith.constant 0 : i32
    %dma_wait3A_649 = tpu.memref_slice %arg6[%dma_wait3A_638, %dma_wait3A_647, %dma_wait3A_648] : memref<3x40x1024xf32, #tpu.memory_space<vmem>> -> memref<1x32x1024xf32, #tpu.memory_space<vmem>>
    %dma_wait3A_650 = tpu.memref_squeeze %dma_wait3A_649 : memref<1x32x1024xf32, #tpu.memory_space<vmem>> -> memref<32x1024xf32, #tpu.memory_space<vmem>>
    tpu.wait_dma2 semaphore(%arg10 : memref<!tpu.dma_semaphore, #tpu.memory_space<semaphore_mem>>) src(%dma_wait3A_650 : memref<32x1024xf32, #tpu.memory_space<vmem>>) dst(%dma_wait3A_646 : memref<32x1024xf32, #tpu.memory_space<hbm>>)
    return
  }
}

</mosaic_0001>

<sc_bundles>
// kernel: kernel.3.cloned.1.call-start
scs
__scs_entry_jumppad:
0x0: {  	(pc) =	sbr.rel $0x88, $3  }
0x1: {  	(tag) =	ssettag $0x0;
	lr =	simm.s32 $0x1  }
0x2: {  	[smem:$0x3F9F] =	sst lr;
	_ =	strace $0xD0000000  }
0x3: {  	_ = 	snop  }
0x4: {  	_ = 	snop  }
0x5: {  	_ = 	snop  }
0x6: {  	_ = 	snop  }
0x7: {  	_ = 	snop  }
__scs_overlays_trampoline_lowered:
0x8: {  	[smem:$0x3FAE] =	sst s0  }
0x9: {  	[smem:$0x3FAF] =	sst s1  }
0xa: {  	[smem:$0x3FB0] =	sst s2  }
0xb: {  	[smem:$0x3FB1] =	sst s3  }
0xc: {  	[smem:$0x3FB2] =	sst s4  }
0xd: {  	[smem:$0x3FB3] =	sst s5  }
0xe: {  	[smem:$0x3FB4] =	sst s6  }
0xf: {  	[smem:$0x3FB5] =	sst s7  }
0x10: {  	[smem:$0x3FB6] =	sst s8  }
0x11: {  	[smem:$0x3FB7] =	sst s9;
	s0 =	simm.s32 @!p0 $0x0  }
0x12: {  	s1 =	sld [smem:$0x3F9D];
	s0 =	simm.s32 @p0 $0x1  }
0x13: {  	[smem:$0x3FB8] =	sst s0;
	s0 =	simm.s32 @!p1 $0x0  }
0x14: {  	s2 =	sld [smem:$0x3F9C];
	s0 =	simm.s32 @p1 $0x1  }
0x15: {  	[smem:$0x3FB9] =	sst s0;
	s0 =	simm.s32 @!p2 $0x0  }
0x16: {  	s3 =	sld [smem:$0x3FDB];
	s0 =	simm.s32 @p2 $0x1  }
0x17: {  	s4 =	simm.s32 $0x1BF5;
	[smem:$0x3FBB] =	sst s0  }
0x18: {  	s0 =	sld [smem:$0x3F9E];
	_ =	swait.ge [sflag:s4], $0x0  }
0x19: {  	s7 =	sld [smem:$0x3F9F]  }
0x1a: {  	s8 =	sadd.s32 $0xFFFFE003, lr  }
0x1b: {  	s9 =	sadd.s32 $0xFFFFFEF7, lr;
	s5 =	simm.s32 $0xFFFFFFFF;
	p2 =	slt.u32 s8, $0xFFFFF086  }
0x1c: {  	p1 =	slt.u32 s9, $0xF7A;
	s5 =	simm.s32 @!p2 $0x0  }
0x1d: {  	s5 =	simm.s32 @p1 $0x1;
	p0 =	seq.s32 s7, s2  }
0x1e: {  	s7 =	smul.u32 @!p0 $0xF7A, s2;
	p2 =	seq.s32 @!p0 s5, $0x0  }
0x1f: {  	s9 =	smul.u32 $0xF7A, s1;
	s8 =	simm.s32 @!p0 $0x1BF5;
	p2 =	por !p2, p0  }
0x20: {  	[sflag:s8] =	ssyncset.s32 @!p0 $0xFFFFF086;
	s6 =	sadd.s32 @!p0 s3, s7;
	s7 =	simm.s32 @!p0 $0x108  }
0x21: {  	s3 =	sadd.s32 s3, s9;
	s6 =	sadd.s32 @!p0 $0x88, s6;
	s7 =	simm.s32 @p2 $0x1082  }
0x22: {  	[simem:s7], [sflag:s8] =	dma.local @!p0 [hbm:s6], $0xF7A  }
0x23: {  	s9 =	sor.u32 $0xD0000000, s2;
	s6 =	simm.s32 $0x108;
	_ =	swait.ge @!p0 [sflag:s8], $0x0  }
0x24: {  	s3 =	sadd.s32 $0x88, s3;
	s6 =	simm.s32 @!p1 $0x1082;
	[sflag:s4] =	ssyncset.s32 $0xFFFFF086  }
0x25: {  	[simem:s6], [sflag:s4] =	dma.local [hbm:s3], $0xF7A  }
0x26: {  	[smem:$0x3F9F] =	sst s1;
	(tag) =	ssettag s2;
	_ =	strace s9  }
0x27: {  	s1 =	sld [smem:$0x3FAF]  }
0x28: {  	s2 =	sld [smem:$0x3FB0]  }
0x29: {  	s4 =	sld [smem:$0x3FB2]  }
0x2a: {  	p0 =	seq.s32 s5, $0x0;
	s5 =	sld [smem:$0x3FB3]  }
0x2b: {  	s6 =	sld [smem:$0x3FB4]  }
0x2c: {  	s7 =	sld [smem:$0x3FB5]  }
0x2d: {  	s3 =	simm.s32 $0x108;
	s8 =	sld [smem:$0x3FB6]  }
0x2e: {  	s3 =	simm.s32 @!p0 $0x1082;
	s9 =	sld [smem:$0x3FB7]  }
0x2f: {  	lr =	sadd.s32 s0, s3;
	s0 =	sld [smem:$0x3FAE]  }
0x30: {  	s3 =	sld [smem:$0x3FB1]  }
0x31: {  	[smem:$0x3FBA] =	sst s10  }
0x32: {  	s10 =	sld [smem:$0x3FB8];
	_ =	sdelay $0x3  }
0x33: {  	p0 =	seq.s32 s10, $0x1;
	s10 =	sld [smem:$0x3FBA];
	_ =	sdelay $0x3  }
0x34: {  	[smem:$0x3FBA] =	sst s10  }
0x35: {  	s10 =	sld [smem:$0x3FB9];
	_ =	sdelay $0x3  }
0x36: {  	p1 =	seq.s32 s10, $0x1;
	s10 =	sld [smem:$0x3FBA];
	_ =	sdelay $0x3  }
0x37: {  	[smem:$0x3FBA] =	sst s10  }
0x38: {  	s10 =	sld [smem:$0x3FBB]  }
0x39: {  	_ = 	snop;
	(pc) =	sbr.ind lr, $3  }
0x3a: {  	_ = 	snop  }
0x3b: {  	_ = 	snop  }
0x3c: {  	p2 =	seq.s32 s10, $0x1;
	s10 =	sld [smem:$0x3FBA]  }
0x3d: {  	_ =	shalt  }
0x3e: {  	_ =	shalt  }
0x3f: {  	_ =	shalt  }
0x40: {  	_ =	shalt  }
0x41: {  	_ =	shalt  }
0x42: {  	_ =	shalt  }
0x43: {  	_ =	shalt  }
0x44: {  	_ =	shalt  }
0x45: {  	_ =	shalt  }
0x46: {  	_ =	shalt  }
0x47: {  	_ =	shalt  }
0x48: {  	_ =	shalt  }
0x49: {  	_ =	shalt  }
0x4a: {  	_ =	shalt  }
0x4b: {  	_ =	shalt  }
0x4c: {  	_ =	shalt  }
0x4d: {  	_ =	shalt  }
0x4e: {  	_ =	shalt  }
0x4f: {  	_ =	shalt  }
0x50: {  	_ =	shalt  }
0x51: {  	_ =	shalt  }
0x52: {  	_ =	shalt  }
0x53: {  	_ =	shalt  }
0x54: {  	_ =	shalt  }
0x55: {  	_ =	shalt  }
0x56: {  	_ =	shalt  }
0x57: {  	_ =	shalt  }
0x58: {  	_ =	shalt  }
0x59: {  	_ =	shalt  }
0x5a: {  	_ =	shalt  }
0x5b: {  	_ =	shalt  }
0x5c: {  	_ =	shalt  }
0x5d: {  	_ =	shalt  }
0x5e: {  	_ =	shalt  }
0x5f: {  	_ =	shalt  }
0x60: {  	_ =	shalt  }
0x61: {  	_ =	shalt  }
0x62: {  	_ =	shalt  }
0x63: {  	_ =	shalt  }
0x64: {  	_ =	shalt  }
0x65: {  	_ =	shalt  }
0x66: {  	_ =	shalt  }
0x67: {  	_ =	shalt  }
0x68: {  	_ =	shalt  }
0x69: {  	_ =	shalt  }
0x6a: {  	_ =	shalt  }
0x6b: {  	_ =	shalt  }
0x6c: {  	_ =	shalt  }
0x6d: {  	_ =	shalt  }
0x6e: {  	_ =	shalt  }
0x6f: {  	_ =	shalt  }
0x70: {  	_ =	shalt  }
0x71: {  	_ =	shalt  }
0x72: {  	_ =	shalt  }
0x73: {  	_ =	shalt  }
0x74: {  	_ =	shalt  }
0x75: {  	_ =	shalt  }
0x76: {  	_ =	shalt  }
0x77: {  	_ =	shalt  }
0x78: {  	_ =	shalt  }
0x79: {  	_ =	shalt  }
0x7a: {  	_ =	shalt  }
0x7b: {  	_ =	shalt  }
0x7c: {  	_ =	shalt  }
0x7d: {  	_ =	shalt  }
0x7e: {  	_ =	shalt  }
0x7f: {  	_ =	shalt  }
0x80: {  	_ =	shalt  }
0x81: {  	_ =	shalt  }
0x82: {  	_ =	shalt  }
0x83: {  	_ =	shalt  }
0x84: {  	_ =	shalt  }
0x85: {  	_ =	shalt  }
0x86: {  	_ =	shalt  }
0x87: {  	_ =	shalt  }
.Lfunc_end0:
.L_simem_size_0:
called_computation_lowered:
.L_overlay_start_0:
0x88: {  	s2 =	sld [smem:$0x3FD9]  }
0x89: {  	s3 =	sld [smem:$0x3FFE];
	_ =	sdelay $0x1  }
0x8a: {  	s1 =	srdreg.scid  }
0x8b: {  	s0 =	sand.u32 $0x1, s1  }
0x8c: {  	s17 =	sshll.u32 s0, $0xA;
	s2 =	sadd.s32 s3, s2  }
0x8d: {  	s2 =	sadd.s32 s2, s17  }
0x8e: {  	[smem:$0x3FC6] =	sst s2  }
0x8f: {  	_ = 	snop  }
0x90: {  	s2 =	sld [smem:$0x3FC8]  }
0x91: {  	s18 =	sld [smem:$0x3FD0];
	(tm) =	ssettm $0x1  }
0x92: {  	s4 =	sld [smem:$0x3FFB];
	_ =	sdelay $0x3  }
0x93: {  	_ =	strace s4  }
0x94: {  	s4 =	sld [smem:$0x3FFC];
	_ =	sdelay $0x3  }
0x95: {  	_ =	strace s4  }
0x96: {  	s4 =	sld [smem:$0x3FFD];
	_ =	sdelay $0x3  }
0x97: {  	_ =	strace s4  }
0x98: {  	_ =	strace $0x8FFFFFFF  }
0x99: {  	s19 =	sld [smem:$0x3FDB];
	_ =	sdelay $0x1  }
0x9a: {  	s5 =	simm.s32 $_scs_section_size  }
0x9b: {  	s6 =	simm.s32 $_size__tile_overlayer_lowered;
	s7 =	simm.s32 $_tile_overlayer_lowered  }
0x9c: {  	s22 =	simm.s32 $0x1BFF;
	s21 =	sshll.u32 s7, $0x1;
	s4 =	sadd.s32 s5, s19  }
0x9d: {  	s8 =	simm.s32 $0x0;
	s20 =	sshll.u32 s6, $0x1;
	s6 =	sadd.s32 s21, s4  }
0x9e: {  	[timem:s8], [sflag:s22] =	dma.local [hbm:s6], s20  }
0x9f: {  	_ =	swait.ge [sflag:s22], s20  }
0xa0: {  	s5 =	ssub.s32 $0x0, s20;
	[sflag:s22] =	ssyncset.done $0x0  }
0xa1: {  	[sflag:s22] =	ssyncadd.s32 s5;
	_ =	sdelay $0x1  }
0xa2: {  	s23 =	simm.s32 $0x1B8B  }
0xa3: {  	_ =	swait.ge [sflag:s23], $0x1  }
0xa4: {  	[sflag:s23] =	ssyncset.done $0x0  }
0xa5: {  	s25 =	simm.s32 $0x1B8E;
	s24 =	sld [smem:$0x3FFE];
	[sflag:s23] =	ssyncadd.s32 $0xFFFFFFFF  }
0xa6: {  	s26 =	simm.s32 $execute0_lowered;
	[smem:$0x3FD2] =	sst s25  }
0xa7: {  	s6 =	sshll.u32 s26, $0x1;
	_ =	strace $0x80000046;
	[dreg:$0x1] =	wrdreg $0xFFFFFFFF  }
0xa8: {  	s28 =	simm.s32 $_size_execute0_lowered;
	s4 =	sadd.s32 s4, s6;
	[dreg:$0x0] =	wrdreg $0x0  }
0xa9: {  	s6 =	sshll.u32 s28, $0x1;
	[dreg:$0x2] =	wrdreg s4  }
0xaa: {  	[dreg:$0x3] =	wrdreg s6  }
0xab: {  	[dreg:$0x4] =	wrdreg $0xC0  }
0xac: {  	_ =	task [dreg:s8], $0x5FFFF  }
0xad: {  	[dreg:$0x1] =	wrdreg $0xFFFFFFFF  }
0xae: {  	[dreg:$0x0] =	wrdreg $0x60  }
0xaf: {  	[dreg:$0x2] =	wrdreg s24  }
0xb0: {  	[dreg:$0x3] =	wrdreg s2  }
0xb1: {  	[dreg:$0x4] =	wrdreg s18  }
0xb2: {  	[dreg:$0x5] =	wrdreg $0x9  }
0xb3: {  	_ =	task.clear_ibuf [dreg:s8], $0x6FFFF;
	_ =	strace $0x90000046  }
0xb4: {  	s29 =	simm.s32 $0x9;
	_ =	strace $0x80000048  }
0xb5: {  	_ =	swait.ge [sflag:s29], $0x1  }
0xb6: {  	[sflag:s29] =	ssyncadd.s32 $0xFFFFFFFF  }
0xb7: {  	_ =	strace $0x90000048  }
0xb8: {  	_ =	sfence  }
0xb9: {  	s30 =	sld [smem:$0x0];
	_ =	sdelay $0x2  }
0xba: {  	s31 =	sshll.u32 s1, $0xD;
	s1 =	sshrl.u32 s1, $0x2  }
0xbb: {  	s3 =	sand.u32 $0x4000, s31;
	s1 =	sadd.s32 s1, s30  }
0xbc: {  	s0 =	sor.u32 s3, s0;
	s1 =	sshll.u32 s1, $0x11  }
0xbd: {  	s0 =	sor.u32 s1, s0  }
0xbe: {  	s0 =	sadd.s32 $0x8F2B, s0  }
0xbf: {  	[sflag:s0] =	ssyncadd.remote.s32 $0x1  }
0xc0: {  	_ =	sfence.sel $0xFFFF  }
0xc1: {  	[dreg:$0x0] =	wrdreg $0xFFFFFFFF;
	(pc) =	sbr.abs _section_cstart, $3  }
0xc2: {  	[dreg:$0x1] =	wrdreg $0xFFFFFFFF  }
0xc3: {  	_ =	task.clear_ibuf [dreg:s8], $0x2FFFF;
	_ =	strace $0x9FFFFFFF  }
0xc4: {  	(tm) =	ssettm $0x7FFFFFFF  }
0xc5: {  	_ =	shalt  }
tec
execute0_lowered:
.L_overlay_start_1:
0x0: {  	(tag) =	ssettag $0x1  }
0x1: {  	s0 =	rddreg [dreg:$0x0]  }
0x2: {  	s5 =	stileid.u32;
	s2 =	rddreg [dreg:$0x1]  }
0x3: {  	s1 =	srdreg.scid;
	s4 =	rddreg [dreg:$0x2];
	s26 =	simm.s32 $0x80  }
0x4: {  	s31 =	simm.s32 $0x400;
	s28 =	simm.s32 $0x5;
	s29 =	simm.s32 $0x3  }
0x5: {  	s30 =	simm.s32 $0x6;
	s1 =	sand.u32 $0x1, s1;
	s3 =	sshll.u32 s5, $0x1  }
0x6: {  	s9 =	simm.s32 $0xA200;
	s6 =	sor.u32 s1, s3;
	s3 =	simm.s32 $0x0  }
0x7: {  	s10 =	simm.s32 $0x14200;
	s5 =	sshll.u32 s5, $0x7;
	[smem:$0x7FF] =	sst s3  }
0x8: {  	s12 =	sshll.u32 s6, $0x10;
	_ =	strace $0x80000047;
	[dreg:$0x11] =	wrdreg s26  }
0x9: {  	s7 =	sshll.u32 s6, $0x4;
	s6 =	sadd.s32 s4, s12;
	[dreg:$0x12] =	wrdreg s31  }
0xa: {  	s5 =	sand.u32 $0x600, s5;
	s13 =	sadd.s32 $0x1400, s6;
	[dreg:$0x13] =	wrdreg s6  }
0xb: {  	s1 =	ssub.s32 $0x2, s1;
	s14 =	sadd.s32 $0x2800, s6;
	[dreg:$0x5] =	wrdreg s13  }
0xc: {  	s0 =	sadd.s32 s5, s0;
	s15 =	sadd.s32 $0x3C00, s6;
	[dreg:$0x6] =	wrdreg s14  }
0xd: {  	s22 =	sshrl.u32 s1, $0x1;
	s16 =	sadd.s32 $0x5000, s6;
	[dreg:$0x7] =	wrdreg s15  }
0xe: {  	s5 =	sadd.s32 $0x100, s2;
	s17 =	sadd.s32 $0x6400, s6;
	[dreg:$0x8] =	wrdreg s16  }
0xf: {  	s11 =	sand.u32 $0x70, s7;
	s18 =	sadd.s32 $0x7800, s6;
	[dreg:$0x9] =	wrdreg s17  }
0x10: {  	s1 =	ssub.s32 s1, s22;
	s19 =	sadd.s32 $0x8C00, s6;
	[dreg:$0xa] =	wrdreg s18  }
0x11: {  	s7 =	sadd.s32 $0x300, s2;
	s20 =	sadd.s32 $0xA000, s6;
	[dreg:$0xb] =	wrdreg s19  }
0x12: {  	s4 =	simm.s32 $0x4;
	s21 =	sadd.s32 $0xB400, s6;
	[dreg:$0xc] =	wrdreg s20  }
0x13: {  	s26 =	simm.s32 $0x2;
	s23 =	sadd.s32 $0xC800, s6;
	[dreg:$0xd] =	wrdreg s21  }
0x14: {  	s0 =	sadd.s32 s11, s0;
	s24 =	sadd.s32 $0xDC00, s6;
	[dreg:$0xe] =	wrdreg s23  }
0x15: {  	v2 =	vlaneseq.u32;
	s25 =	sadd.s32 $0xF000, s6;
	s6 =	sadd.s32 $0x200, s2;
	[dreg:$0xf] =	wrdreg s24  }
0x16: {  	vm0 =	vmmov $0xffff;
	v1 =	vshrl.u32 v2, $0x3;
	s8 =	smax.u32 s1, $0x1;
	s0 =	sadd.s32 $0x400, s0;
	[dreg:$0x10] =	wrdreg s25  }
0x17: {  	v0 =	vand.u32 $0x7, v2;
	v2 =	vor.u32 $0x8, v2;
	v1 =	vmul.u32 $0x8, v1;
	s15 =	simm.s32 $0x200;
	[dreg:$0x4] =	wrdreg s0;
	s0 =	simm.s32 $0x1  }
.LBB2_1:
0x18: {  	s1 =	rddreg [dreg:$0x4]  }
0x19: {  	s11 =	rddreg [dreg:$0x11]  }
0x1a: {  	s12 =	rddreg [dreg:$0x12];
	s19 =	simm.s32 $0x7  }
0x1b: {  	[tilespmem:s3], [sflag:$0x7] =	stream.strided.gather [hbm4b:s1+s11], $0x200, s12, s11, $0x38;
	[tilespmem:$0x1E200] =	vst v63  }
0x1c: {  	_ =	swait.ge [sflag:s19], $0x200  }
0x1d: {  	[sflag:s19] =	ssyncset.done $0x0  }
0x1e: {  	[sflag:s19] =	ssyncadd.s32 $0xFFFFFE00  }
0x1f: {  	v3 =	vld [tilespmem:$0x0];
	_ =	sdelay $0x4  }
0x20: {  	v4 =	vshll.u32 v3, $0x3  }
0x21: {  	v3 =	vand.u32 $0x7, v3;
	v4 =	vand.u32 $0xFFFFFFC0, v4  }
0x22: {  	v3 =	vor.u32 v3, v4  }
0x23: {  	v4 =	vperm.xlane v3, v0;
	_ =	sdelay $0x1  }
0x24: {  	v4 =	vadd.s32 v1, v4;
	_ =	sdelay $0x4  }
0x25: {  	[tilespmem:s15], [sflag:$0x1] =	stream.indirect_vreg.gather [hbm4b:s2+s3], $0x80, v4, vm0, $0xb8;
	[tilespmem:$0x1E200] =	vst v63  }
0x26: {  	s20 =	simm.s32 $0xA00;
	v3 =	vperm.xlane v3, v2  }
0x27: {  	[tilespmem:s20], [sflag:$0x1] =	stream.indirect_vreg.gather [hbm4b:s5+s3], $0x80, v4, vm0, $0xb8;
	[tilespmem:$0x1E200] =	vst v63  }
0x28: {  	s21 =	simm.s32 $0x1200;
	v3 =	vadd.s32 v1, v3  }
0x29: {  	[tilespmem:s21], [sflag:$0x1] =	stream.indirect_vreg.gather [hbm4b:s6+s3], $0x80, v4, vm0, $0xb8;
	[tilespmem:$0x1E200] =	vst v63  }
0x2a: {  	s22 =	simm.s32 $0x1A00  }
0x2b: {  	[tilespmem:s22], [sflag:$0x1] =	stream.indirect_vreg.gather [hbm4b:s7+s3], $0x80, v4, vm0, $0xb8;
	[tilespmem:$0x1E200] =	vst v63  }
0x2c: {  	s23 =	simm.s32 $0x2200  }
0x2d: {  	[tilespmem:s23], [sflag:$0x1] =	stream.indirect_vreg.gather [hbm4b:s2+s3], $0x80, v3, vm0, $0xb8;
	[tilespmem:$0x1E200] =	vst v63  }
0x2e: {  	s25 =	simm.s32 $0x2A00  }
0x2f: {  	[tilespmem:s25], [sflag:$0x1] =	stream.indirect_vreg.gather [hbm4b:s5+s3], $0x80, v3, vm0, $0xb8;
	[tilespmem:$0x1E200] =	vst v63  }
0x30: {  	s11 =	simm.s32 $0x3200  }
0x31: {  	[tilespmem:s11], [sflag:$0x1] =	stream.indirect_vreg.gather [hbm4b:s6+s3], $0x80, v3, vm0, $0xb8;
	[tilespmem:$0x1E200] =	vst v63  }
0x32: {  	s12 =	simm.s32 $0x3A00  }
0x33: {  	[tilespmem:s12], [sflag:$0x1] =	stream.indirect_vreg.gather [hbm4b:s7+s3], $0x80, v3, vm0, $0xb8;
	[tilespmem:$0x1E200] =	vst v63  }
0x34: {  	v3 =	vld [tilespmem:$0x10];
	_ =	sdelay $0x4  }
0x35: {  	v27 =	vshll.u32 v3, $0x3  }
0x36: {  	v3 =	vand.u32 $0x7, v3;
	v4 =	vand.u32 $0xFFFFFFC0, v27  }
0x37: {  	v3 =	vor.u32 v3, v4  }
0x38: {  	v4 =	vperm.xlane v3, v0;
	_ =	sdelay $0x1  }
0x39: {  	v4 =	vadd.s32 v1, v4;
	_ =	sdelay $0x3  }
0x3a: {  	s13 =	simm.s32 $0x4200  }
0x3b: {  	[tilespmem:s13], [sflag:$0x1] =	stream.indirect_vreg.gather [hbm4b:s2+s3], $0x80, v4, vm0, $0xb8;
	[tilespmem:$0x1E200] =	vst v63  }
0x3c: {  	s14 =	simm.s32 $0x4A00;
	v3 =	vperm.xlane v3, v2  }
0x3d: {  	[tilespmem:s14], [sflag:$0x1] =	stream.indirect_vreg.gather [hbm4b:s5+s3], $0x80, v4, vm0, $0xb8;
	[tilespmem:$0x1E200] =	vst v63  }
0x3e: {  	s19 =	simm.s32 $0x5200;
	v3 =	vadd.s32 v1, v3  }
0x3f: {  	[tilespmem:s19], [sflag:$0x1] =	stream.indirect_vreg.gather [hbm4b:s6+s3], $0x80, v4, vm0, $0xb8;
	[tilespmem:$0x1E200] =	vst v63  }
0x40: {  	s20 =	simm.s32 $0x5A00  }
0x41: {  	[tilespmem:s20], [sflag:$0x1] =	stream.indirect_vreg.gather [hbm4b:s7+s3], $0x80, v4, vm0, $0xb8;
	[tilespmem:$0x1E200] =	vst v63  }
0x42: {  	s21 =	simm.s32 $0x6200  }
0x43: {  	[tilespmem:s21], [sflag:$0x1] =	stream.indirect_vreg.gather [hbm4b:s2+s3], $0x80, v3, vm0, $0xb8;
	[tilespmem:$0x1E200] =	vst v63  }
0x44: {  	s22 =	simm.s32 $0x6A00  }
0x45: {  	[tilespmem:s22], [sflag:$0x1] =	stream.indirect_vreg.gather [hbm4b:s5+s3], $0x80, v3, vm0, $0xb8;
	[tilespmem:$0x1E200] =	vst v63  }
0x46: {  	s23 =	simm.s32 $0x7200  }
0x47: {  	[tilespmem:s23], [sflag:$0x1] =	stream.indirect_vreg.gather [hbm4b:s6+s3], $0x80, v3, vm0, $0xb8;
	[tilespmem:$0x1E200] =	vst v63  }
0x48: {  	s11 =	simm.s32 $0x7A00  }
0x49: {  	[tilespmem:s11], [sflag:$0x1] =	stream.indirect_vreg.gather [hbm4b:s7+s3], $0x80, v3, vm0, $0xb8;
	[tilespmem:$0x1E200] =	vst v63  }
0x4a: {  	v3 =	vld.msk [tilespmem:$0x20], $0xff;
	_ =	sdelay $0x4  }
0x4b: {  	v28 =	vshll.u32 v3, $0x3  }
0x4c: {  	v3 =	vand.u32 $0x7, v3;
	v4 =	vand.u32 $0xFFFFFFC0, v28  }
0x4d: {  	v3 =	vor.u32 v3, v4  }
0x4e: {  	v3 =	vperm.xlane v3, v0;
	_ =	sdelay $0x1  }
0x4f: {  	v3 =	vadd.s32 v1, v3;
	_ =	sdelay $0x3  }
0x50: {  	s12 =	simm.s32 $0x8200  }
0x51: {  	[tilespmem:s12], [sflag:$0x1] =	stream.indirect_vreg.gather [hbm4b:s2+s3], $0x80, v3, vm0, $0xb8;
	[tilespmem:$0x1E200] =	vst v63  }
0x52: {  	s12 =	simm.s32 $0x8A00  }
0x53: {  	[tilespmem:s12], [sflag:$0x1] =	stream.indirect_vreg.gather [hbm4b:s5+s3], $0x80, v3, vm0, $0xb8;
	[tilespmem:$0x1E200] =	vst v63  }
0x54: {  	s12 =	simm.s32 $0x9200  }
0x55: {  	[tilespmem:s12], [sflag:$0x1] =	stream.indirect_vreg.gather [hbm4b:s6+s3], $0x80, v3, vm0, $0xb8;
	[tilespmem:$0x1E200] =	vst v63  }
0x56: {  	s12 =	simm.s32 $0x9A00  }
0x57: {  	[tilespmem:s12], [sflag:$0x1] =	stream.indirect_vreg.gather [hbm4b:s7+s3], $0x80, v3, vm0, $0xb8;
	[tilespmem:$0x1E200] =	vst v63  }
0x58: {  	v3 =	vld [tilespmem:$0x28];
	_ =	sdelay $0x4  }
0x59: {  	v29 =	vshll.u32 v3, $0x3  }
0x5a: {  	v3 =	vand.u32 $0x7, v3;
	v4 =	vand.u32 $0xFFFFFFC0, v29  }
0x5b: {  	v3 =	vor.u32 v3, v4  }
0x5c: {  	v4 =	vperm.xlane v3, v0;
	_ =	sdelay $0x1  }
0x5d: {  	v4 =	vadd.s32 v1, v4;
	_ =	sdelay $0x4  }
0x5e: {  	[tilespmem:s9], [sflag:$0x2] =	stream.indirect_vreg.gather [hbm4b:s2+s3], $0x80, v4, vm0, $0xb8;
	[tilespmem:$0x1E200] =	vst v63  }
0x5f: {  	s1 =	simm.s32 $0xAA00;
	v3 =	vperm.xlane v3, v2  }
0x60: {  	[tilespmem:s1], [sflag:$0x2] =	stream.indirect_vreg.gather [hbm4b:s5+s3], $0x80, v4, vm0, $0xb8;
	[tilespmem:$0x1E200] =	vst v63  }
0x61: {  	v3 =	vadd.s32 v1, v3;
	s1 =	simm.s32 $0xB200  }
0x62: {  	[tilespmem:s1], [sflag:$0x2] =	stream.indirect_vreg.gather [hbm4b:s6+s3], $0x80, v4, vm0, $0xb8;
	[tilespmem:$0x1E200] =	vst v63  }
0x63: {  	s1 =	simm.s32 $0xBA00  }
0x64: {  	[tilespmem:s1], [sflag:$0x2] =	stream.indirect_vreg.gather [hbm4b:s7+s3], $0x80, v4, vm0, $0xb8;
	[tilespmem:$0x1E200] =	vst v63  }
0x65: {  	s1 =	simm.s32 $0xC200  }
0x66: {  	[tilespmem:s1], [sflag:$0x2] =	stream.indirect_vreg.gather [hbm4b:s2+s3], $0x80, v3, vm0, $0xb8;
	[tilespmem:$0x1E200] =	vst v63  }
0x67: {  	s1 =	simm.s32 $0xCA00  }
0x68: {  	[tilespmem:s1], [sflag:$0x2] =	stream.indirect_vreg.gather [hbm4b:s5+s3], $0x80, v3, vm0, $0xb8;
	[tilespmem:$0x1E200] =	vst v63  }
0x69: {  	s1 =	simm.s32 $0xD200  }
0x6a: {  	[tilespmem:s1], [sflag:$0x2] =	stream.indirect_vreg.gather [hbm4b:s6+s3], $0x80, v3, vm0, $0xb8;
	[tilespmem:$0x1E200] =	vst v63  }
0x6b: {  	s1 =	simm.s32 $0xDA00  }
0x6c: {  	[tilespmem:s1], [sflag:$0x2] =	stream.indirect_vreg.gather [hbm4b:s7+s3], $0x80, v3, vm0, $0xb8;
	[tilespmem:$0x1E200] =	vst v63  }
0x6d: {  	v3 =	vld [tilespmem:$0x38];
	_ =	sdelay $0x4  }
0x6e: {  	v30 =	vshll.u32 v3, $0x3  }
0x6f: {  	v3 =	vand.u32 $0x7, v3;
	v4 =	vand.u32 $0xFFFFFFC0, v30  }
0x70: {  	v3 =	vor.u32 v3, v4  }
0x71: {  	v4 =	vperm.xlane v3, v0;
	_ =	sdelay $0x1  }
0x72: {  	v4 =	vadd.s32 v1, v4;
	_ =	sdelay $0x3  }
0x73: {  	s1 =	simm.s32 $0xE200  }
0x74: {  	[tilespmem:s1], [sflag:$0x2] =	stream.indirect_vreg.gather [hbm4b:s2+s3], $0x80, v4, vm0, $0xb8;
	[tilespmem:$0x1E200] =	vst v63  }
0x75: {  	v3 =	vperm.xlane v3, v2;
	s1 =	simm.s32 $0xEA00  }
0x76: {  	[tilespmem:s1], [sflag:$0x2] =	stream.indirect_vreg.gather [hbm4b:s5+s3], $0x80, v4, vm0, $0xb8;
	[tilespmem:$0x1E200] =	vst v63  }
0x77: {  	v3 =	vadd.s32 v1, v3;
	s1 =	simm.s32 $0xF200  }
0x78: {  	[tilespmem:s1], [sflag:$0x2] =	stream.indirect_vreg.gather [hbm4b:s6+s3], $0x80, v4, vm0, $0xb8;
	[tilespmem:$0x1E200] =	vst v63  }
0x79: {  	s1 =	simm.s32 $0xFA00  }
0x7a: {  	[tilespmem:s1], [sflag:$0x2] =	stream.indirect_vreg.gather [hbm4b:s7+s3], $0x80, v4, vm0, $0xb8;
	[tilespmem:$0x1E200] =	vst v63  }
0x7b: {  	s1 =	simm.s32 $0x10200  }
0x7c: {  	[tilespmem:s1], [sflag:$0x2] =	stream.indirect_vreg.gather [hbm4b:s2+s3], $0x80, v3, vm0, $0xb8;
	[tilespmem:$0x1E200] =	vst v63  }
0x7d: {  	s1 =	simm.s32 $0x10A00  }
0x7e: {  	[tilespmem:s1], [sflag:$0x2] =	stream.indirect_vreg.gather [hbm4b:s5+s3], $0x80, v3, vm0, $0xb8;
	[tilespmem:$0x1E200] =	vst v63  }
0x7f: {  	s1 =	simm.s32 $0x11200  }
0x80: {  	[tilespmem:s1], [sflag:$0x2] =	stream.indirect_vreg.gather [hbm4b:s6+s3], $0x80, v3, vm0, $0xb8;
	[tilespmem:$0x1E200] =	vst v63  }
0x81: {  	s1 =	simm.s32 $0x11A00  }
0x82: {  	[tilespmem:s1], [sflag:$0x2] =	stream.indirect_vreg.gather [hbm4b:s7+s3], $0x80, v3, vm0, $0xb8;
	[tilespmem:$0x1E200] =	vst v63  }
0x83: {  	v3 =	vld.msk [tilespmem:$0x48], $0xff;
	_ =	sdelay $0x4  }
0x84: {  	v31 =	vshll.u32 v3, $0x3  }
0x85: {  	v3 =	vand.u32 $0x7, v3;
	v4 =	vand.u32 $0xFFFFFFC0, v31  }
0x86: {  	v3 =	vor.u32 v3, v4  }
0x87: {  	v3 =	vperm.xlane v3, v0;
	_ =	sdelay $0x1  }
0x88: {  	v3 =	vadd.s32 v1, v3;
	_ =	sdelay $0x3  }
0x89: {  	s1 =	simm.s32 $0x12200  }
0x8a: {  	[tilespmem:s1], [sflag:$0x2] =	stream.indirect_vreg.gather [hbm4b:s2+s3], $0x80, v3, vm0, $0xb8;
	[tilespmem:$0x1E200] =	vst v63  }
0x8b: {  	s1 =	simm.s32 $0x12A00  }
0x8c: {  	[tilespmem:s1], [sflag:$0x2] =	stream.indirect_vreg.gather [hbm4b:s5+s3], $0x80, v3, vm0, $0xb8;
	[tilespmem:$0x1E200] =	vst v63  }
0x8d: {  	s1 =	simm.s32 $0x13200  }
0x8e: {  	[tilespmem:s1], [sflag:$0x2] =	stream.indirect_vreg.gather [hbm4b:s6+s3], $0x80, v3, vm0, $0xb8;
	[tilespmem:$0x1E200] =	vst v63  }
0x8f: {  	s1 =	simm.s32 $0x13A00  }
0x90: {  	[tilespmem:s1], [sflag:$0x2] =	stream.indirect_vreg.gather [hbm4b:s7+s3], $0x80, v3, vm0, $0xb8;
	[tilespmem:$0x1E200] =	vst v63  }
0x91: {  	v3 =	vld [tilespmem:$0x50];
	_ =	sdelay $0x4  }
0x92: {  	v32 =	vshll.u32 v3, $0x3  }
0x93: {  	v3 =	vand.u32 $0x7, v3;
	v4 =	vand.u32 $0xFFFFFFC0, v32  }
0x94: {  	v3 =	vor.u32 v3, v4  }
0x95: {  	v4 =	vperm.xlane v3, v0;
	_ =	sdelay $0x1  }
0x96: {  	v4 =	vadd.s32 v1, v4;
	_ =	sdelay $0x4  }
0x97: {  	[tilespmem:s10], [sflag:$0x3] =	stream.indirect_vreg.gather [hbm4b:s2+s3], $0x80, v4, vm0, $0xb8;
	[tilespmem:$0x1E200] =	vst v63  }
0x98: {  	s1 =	simm.s32 $0x14A00;
	v3 =	vperm.xlane v3, v2  }
0x99: {  	[tilespmem:s1], [sflag:$0x3] =	stream.indirect_vreg.gather [hbm4b:s5+s3], $0x80, v4, vm0, $0xb8;
	[tilespmem:$0x1E200] =	vst v63  }
0x9a: {  	v3 =	vadd.s32 v1, v3;
	s1 =	simm.s32 $0x15200  }
0x9b: {  	[tilespmem:s1], [sflag:$0x3] =	stream.indirect_vreg.gather [hbm4b:s6+s3], $0x80, v4, vm0, $0xb8;
	[tilespmem:$0x1E200] =	vst v63  }
0x9c: {  	s1 =	simm.s32 $0x15A00  }
0x9d: {  	[tilespmem:s1], [sflag:$0x3] =	stream.indirect_vreg.gather [hbm4b:s7+s3], $0x80, v4, vm0, $0xb8;
	[tilespmem:$0x1E200] =	vst v63  }
0x9e: {  	s1 =	simm.s32 $0x16200  }
0x9f: {  	[tilespmem:s1], [sflag:$0x3] =	stream.indirect_vreg.gather [hbm4b:s2+s3], $0x80, v3, vm0, $0xb8;
	[tilespmem:$0x1E200] =	vst v63  }
0xa0: {  	s1 =	simm.s32 $0x16A00  }
0xa1: {  	[tilespmem:s1], [sflag:$0x3] =	stream.indirect_vreg.gather [hbm4b:s5+s3], $0x80, v3, vm0, $0xb8;
	[tilespmem:$0x1E200] =	vst v63  }
0xa2: {  	s1 =	simm.s32 $0x17200  }
0xa3: {  	[tilespmem:s1], [sflag:$0x3] =	stream.indirect_vreg.gather [hbm4b:s6+s3], $0x80, v3, vm0, $0xb8;
	[tilespmem:$0x1E200] =	vst v63  }
0xa4: {  	s1 =	simm.s32 $0x17A00  }
0xa5: {  	[tilespmem:s1], [sflag:$0x3] =	stream.indirect_vreg.gather [hbm4b:s7+s3], $0x80, v3, vm0, $0xb8;
	[tilespmem:$0x1E200] =	vst v63  }
0xa6: {  	v3 =	vld [tilespmem:$0x60];
	_ =	sdelay $0x4  }
0xa7: {  	v33 =	vshll.u32 v3, $0x3  }
0xa8: {  	v3 =	vand.u32 $0x7, v3;
	v4 =	vand.u32 $0xFFFFFFC0, v33  }
0xa9: {  	v3 =	vor.u32 v3, v4  }
0xaa: {  	v4 =	vperm.xlane v3, v0;
	_ =	sdelay $0x1  }
0xab: {  	v4 =	vadd.s32 v1, v4;
	_ =	sdelay $0x3  }
0xac: {  	s1 =	simm.s32 $0x18200  }
0xad: {  	[tilespmem:s1], [sflag:$0x3] =	stream.indirect_vreg.gather [hbm4b:s2+s3], $0x80, v4, vm0, $0xb8;
	[tilespmem:$0x1E200] =	vst v63  }
0xae: {  	v3 =	vperm.xlane v3, v2;
	s1 =	simm.s32 $0x18A00  }
0xaf: {  	[tilespmem:s1], [sflag:$0x3] =	stream.indirect_vreg.gather [hbm4b:s5+s3], $0x80, v4, vm0, $0xb8;
	[tilespmem:$0x1E200] =	vst v63  }
0xb0: {  	v3 =	vadd.s32 v1, v3;
	s1 =	simm.s32 $0x19200  }
0xb1: {  	[tilespmem:s1], [sflag:$0x3] =	stream.indirect_vreg.gather [hbm4b:s6+s3], $0x80, v4, vm0, $0xb8;
	[tilespmem:$0x1E200] =	vst v63  }
0xb2: {  	s1 =	simm.s32 $0x19A00  }
0xb3: {  	[tilespmem:s1], [sflag:$0x3] =	stream.indirect_vreg.gather [hbm4b:s7+s3], $0x80, v4, vm0, $0xb8;
	[tilespmem:$0x1E200] =	vst v63  }
0xb4: {  	s1 =	simm.s32 $0x1A200  }
0xb5: {  	[tilespmem:s1], [sflag:$0x3] =	stream.indirect_vreg.gather [hbm4b:s2+s3], $0x80, v3, vm0, $0xb8;
	[tilespmem:$0x1E200] =	vst v63  }
0xb6: {  	s1 =	simm.s32 $0x1AA00  }
0xb7: {  	[tilespmem:s1], [sflag:$0x3] =	stream.indirect_vreg.gather [hbm4b:s5+s3], $0x80, v3, vm0, $0xb8;
	[tilespmem:$0x1E200] =	vst v63  }
0xb8: {  	s1 =	simm.s32 $0x1B200  }
0xb9: {  	[tilespmem:s1], [sflag:$0x3] =	stream.indirect_vreg.gather [hbm4b:s6+s3], $0x80, v3, vm0, $0xb8;
	[tilespmem:$0x1E200] =	vst v63  }
0xba: {  	s1 =	simm.s32 $0x1BA00  }
0xbb: {  	[tilespmem:s1], [sflag:$0x3] =	stream.indirect_vreg.gather [hbm4b:s7+s3], $0x80, v3, vm0, $0xb8;
	[tilespmem:$0x1E200] =	vst v63  }
0xbc: {  	v3 =	vld.msk [tilespmem:$0x70], $0xff;
	_ =	sdelay $0x4  }
0xbd: {  	v34 =	vshll.u32 v3, $0x3  }
0xbe: {  	v3 =	vand.u32 $0x7, v3;
	v4 =	vand.u32 $0xFFFFFFC0, v34  }
0xbf: {  	v3 =	vor.u32 v3, v4  }
0xc0: {  	v3 =	vperm.xlane v3, v0;
	_ =	sdelay $0x1  }
0xc1: {  	v3 =	vadd.s32 v1, v3;
	_ =	sdelay $0x3  }
0xc2: {  	s1 =	simm.s32 $0x1C200  }
0xc3: {  	[tilespmem:s1], [sflag:$0x3] =	stream.indirect_vreg.gather [hbm4b:s2+s3], $0x80, v3, vm0, $0xb8;
	[tilespmem:$0x1E200] =	vst v63  }
0xc4: {  	s1 =	simm.s32 $0x1CA00  }
0xc5: {  	[tilespmem:s1], [sflag:$0x3] =	stream.indirect_vreg.gather [hbm4b:s5+s3], $0x80, v3, vm0, $0xb8;
	[tilespmem:$0x1E200] =	vst v63  }
0xc6: {  	s1 =	simm.s32 $0x1D200  }
0xc7: {  	[tilespmem:s1], [sflag:$0x3] =	stream.indirect_vreg.gather [hbm4b:s6+s3], $0x80, v3, vm0, $0xb8;
	[tilespmem:$0x1E200] =	vst v63  }
0xc8: {  	s1 =	simm.s32 $0x1DA00  }
0xc9: {  	[tilespmem:s1], [sflag:$0x3] =	stream.indirect_vreg.gather [hbm4b:s7+s3], $0x80, v3, vm0, $0xb8;
	[tilespmem:$0x1E200] =	vst v63  }
0xca: {  	_ =	swait.ge [sflag:s0], $0xA000  }
0xcb: {  	[sflag:s0] =	ssyncset.done $0x0  }
0xcc: {  	s1 =	rddreg [dreg:$0x13];
	[sflag:s0] =	ssyncadd.s32 $0xFFFF6000  }
0xcd: {  	[hbm4b:s1+s3] =	stream.linear.scatter [tilespmem:s15], [sflag:$0x4], $0xA000, $0x38;
	[tilespmem:$0x1E200] =	vst v63  }
0xce: {  	_ =	swait.ge [sflag:s4], $0xA000  }
0xcf: {  	[sflag:s4] =	ssyncset.done $0x0  }
0xd0: {  	[sflag:s4] =	ssyncadd.s32 $0xFFFF6000  }
0xd1: {  	v3 =	vld [tilespmem:$0x78];
	_ =	sdelay $0x4  }
0xd2: {  	v35 =	vshll.u32 v3, $0x3  }
0xd3: {  	v3 =	vand.u32 $0x7, v3;
	v4 =	vand.u32 $0xFFFFFFC0, v35  }
0xd4: {  	v3 =	vor.u32 v3, v4  }
0xd5: {  	v4 =	vperm.xlane v3, v0;
	_ =	sdelay $0x1  }
0xd6: {  	v4 =	vadd.s32 v1, v4;
	_ =	sdelay $0x4  }
0xd7: {  	[tilespmem:s15], [sflag:$0x1] =	stream.indirect_vreg.gather [hbm4b:s2+s3], $0x80, v4, vm0, $0xb8;
	[tilespmem:$0x1E200] =	vst v63  }
0xd8: {  	s24 =	simm.s32 $0xA00;
	v3 =	vperm.xlane v3, v2  }
0xd9: {  	[tilespmem:s24], [sflag:$0x1] =	stream.indirect_vreg.gather [hbm4b:s5+s3], $0x80, v4, vm0, $0xb8;
	[tilespmem:$0x1E200] =	vst v63  }
0xda: {  	s31 =	simm.s32 $0x1200;
	v3 =	vadd.s32 v1, v3  }
0xdb: {  	[tilespmem:s31], [sflag:$0x1] =	stream.indirect_vreg.gather [hbm4b:s6+s3], $0x80, v4, vm0, $0xb8;
	[tilespmem:$0x1E200] =	vst v63  }
0xdc: {  	s31 =	simm.s32 $0x1A00  }
0xdd: {  	[tilespmem:s31], [sflag:$0x1] =	stream.indirect_vreg.gather [hbm4b:s7+s3], $0x80, v4, vm0, $0xb8;
	[tilespmem:$0x1E200] =	vst v63  }
0xde: {  	s16 =	simm.s32 $0x2200  }
0xdf: {  	[tilespmem:s16], [sflag:$0x1] =	stream.indirect_vreg.gather [hbm4b:s2+s3], $0x80, v3, vm0, $0xb8;
	[tilespmem:$0x1E200] =	vst v63  }
0xe0: {  	s17 =	simm.s32 $0x2A00  }
0xe1: {  	[tilespmem:s17], [sflag:$0x1] =	stream.indirect_vreg.gather [hbm4b:s5+s3], $0x80, v3, vm0, $0xb8;
	[tilespmem:$0x1E200] =	vst v63  }
0xe2: {  	s18 =	simm.s32 $0x3200  }
0xe3: {  	[tilespmem:s18], [sflag:$0x1] =	stream.indirect_vreg.gather [hbm4b:s6+s3], $0x80, v3, vm0, $0xb8;
	[tilespmem:$0x1E200] =	vst v63  }
0xe4: {  	s25 =	simm.s32 $0x3A00  }
0xe5: {  	[tilespmem:s25], [sflag:$0x1] =	stream.indirect_vreg.gather [hbm4b:s7+s3], $0x80, v3, vm0, $0xb8;
	[tilespmem:$0x1E200] =	vst v63  }
0xe6: {  	v3 =	vld [tilespmem:$0x88];
	_ =	sdelay $0x4  }
0xe7: {  	v36 =	vshll.u32 v3, $0x3  }
0xe8: {  	v3 =	vand.u32 $0x7, v3;
	v4 =	vand.u32 $0xFFFFFFC0, v36  }
0xe9: {  	v3 =	vor.u32 v3, v4  }
0xea: {  	v4 =	vperm.xlane v3, v0;
	_ =	sdelay $0x1  }
0xeb: {  	v4 =	vadd.s32 v1, v4;
	_ =	sdelay $0x3  }
0xec: {  	s13 =	simm.s32 $0x4200  }
0xed: {  	[tilespmem:s13], [sflag:$0x1] =	stream.indirect_vreg.gather [hbm4b:s2+s3], $0x80, v4, vm0, $0xb8;
	[tilespmem:$0x1E200] =	vst v63  }
0xee: {  	s14 =	simm.s32 $0x4A00;
	v3 =	vperm.xlane v3, v2  }
0xef: {  	[tilespmem:s14], [sflag:$0x1] =	stream.indirect_vreg.gather [hbm4b:s5+s3], $0x80, v4, vm0, $0xb8;
	[tilespmem:$0x1E200] =	vst v63  }
0xf0: {  	s19 =	simm.s32 $0x5200;
	v3 =	vadd.s32 v1, v3  }
0xf1: {  	[tilespmem:s19], [sflag:$0x1] =	stream.indirect_vreg.gather [hbm4b:s6+s3], $0x80, v4, vm0, $0xb8;
	[tilespmem:$0x1E200] =	vst v63  }
0xf2: {  	s20 =	simm.s32 $0x5A00  }
0xf3: {  	[tilespmem:s20], [sflag:$0x1] =	stream.indirect_vreg.gather [hbm4b:s7+s3], $0x80, v4, vm0, $0xb8;
	[tilespmem:$0x1E200] =	vst v63  }
0xf4: {  	s21 =	simm.s32 $0x6200  }
0xf5: {  	[tilespmem:s21], [sflag:$0x1] =	stream.indirect_vreg.gather [hbm4b:s2+s3], $0x80, v3, vm0, $0xb8;
	[tilespmem:$0x1E200] =	vst v63  }
0xf6: {  	s22 =	simm.s32 $0x6A00  }
0xf7: {  	[tilespmem:s22], [sflag:$0x1] =	stream.indirect_vreg.gather [hbm4b:s5+s3], $0x80, v3, vm0, $0xb8;
	[tilespmem:$0x1E200] =	vst v63  }
0xf8: {  	s23 =	simm.s32 $0x7200  }
0xf9: {  	[tilespmem:s23], [sflag:$0x1] =	stream.indirect_vreg.gather [hbm4b:s6+s3], $0x80, v3, vm0, $0xb8;
	[tilespmem:$0x1E200] =	vst v63  }
0xfa: {  	s11 =	simm.s32 $0x7A00  }
0xfb: {  	[tilespmem:s11], [sflag:$0x1] =	stream.indirect_vreg.gather [hbm4b:s7+s3], $0x80, v3, vm0, $0xb8;
	[tilespmem:$0x1E200] =	vst v63  }
0xfc: {  	v3 =	vld.msk [tilespmem:$0x98], $0xff;
	_ =	sdelay $0x4  }
0xfd: {  	v37 =	vshll.u32 v3, $0x3  }
0xfe: {  	v3 =	vand.u32 $0x7, v3;
	v4 =	vand.u32 $0xFFFFFFC0, v37  }
0xff: {  	v3 =	vor.u32 v3, v4  }
0x100: {  	v3 =	vperm.xlane v3, v0;
	_ =	sdelay $0x1  }
0x101: {  	v3 =	vadd.s32 v1, v3;
	_ =	sdelay $0x3  }
0x102: {  	s25 =	simm.s32 $0x8200  }
0x103: {  	[tilespmem:s25], [sflag:$0x1] =	stream.indirect_vreg.gather [hbm4b:s2+s3], $0x80, v3, vm0, $0xb8;
	[tilespmem:$0x1E200] =	vst v63  }
0x104: {  	s23 =	simm.s32 $0x8A00  }
0x105: {  	[tilespmem:s23], [sflag:$0x1] =	stream.indirect_vreg.gather [hbm4b:s5+s3], $0x80, v3, vm0, $0xb8;
	[tilespmem:$0x1E200] =	vst v63  }
0x106: {  	s25 =	simm.s32 $0x9200  }
0x107: {  	[tilespmem:s25], [sflag:$0x1] =	stream.indirect_vreg.gather [hbm4b:s6+s3], $0x80, v3, vm0, $0xb8;
	[tilespmem:$0x1E200] =	vst v63  }
0x108: {  	s12 =	simm.s32 $0x9A00  }
0x109: {  	[tilespmem:s12], [sflag:$0x1] =	stream.indirect_vreg.gather [hbm4b:s7+s3], $0x80, v3, vm0, $0xb8;
	[tilespmem:$0x1E200] =	vst v63  }
0x10a: {  	_ =	swait.ge [sflag:s26], $0xA000  }
0x10b: {  	[sflag:s26] =	ssyncset.done $0x0  }
0x10c: {  	s23 =	rddreg [dreg:$0x5];
	[sflag:s26] =	ssyncadd.s32 $0xFFFF6000  }
0x10d: {  	[hbm4b:s23+s3] =	stream.linear.scatter [tilespmem:s9], [sflag:$0x5], $0xA000, $0x38;
	[tilespmem:$0x1E200] =	vst v63  }
0x10e: {  	_ =	swait.ge [sflag:s28], $0xA000  }
0x10f: {  	[sflag:s28] =	ssyncset.done $0x0  }
0x110: {  	[sflag:s28] =	ssyncadd.s32 $0xFFFF6000  }
0x111: {  	v3 =	vld [tilespmem:$0xA0];
	_ =	sdelay $0x4  }
0x112: {  	v38 =	vshll.u32 v3, $0x3  }
0x113: {  	v3 =	vand.u32 $0x7, v3;
	v4 =	vand.u32 $0xFFFFFFC0, v38  }
0x114: {  	v3 =	vor.u32 v3, v4  }
0x115: {  	v4 =	vperm.xlane v3, v0;
	_ =	sdelay $0x1  }
0x116: {  	v4 =	vadd.s32 v1, v4;
	_ =	sdelay $0x4  }
0x117: {  	[tilespmem:s9], [sflag:$0x2] =	stream.indirect_vreg.gather [hbm4b:s2+s3], $0x80, v4, vm0, $0xb8;
	[tilespmem:$0x1E200] =	vst v63  }
0x118: {  	s25 =	simm.s32 $0xAA00;
	v3 =	vperm.xlane v3, v2  }
0x119: {  	[tilespmem:s25], [sflag:$0x2] =	stream.indirect_vreg.gather [hbm4b:s5+s3], $0x80, v4, vm0, $0xb8;
	[tilespmem:$0x1E200] =	vst v63  }
0x11a: {  	s12 =	simm.s32 $0xB200;
	v3 =	vadd.s32 v1, v3  }
0x11b: {  	[tilespmem:s12], [sflag:$0x2] =	stream.indirect_vreg.gather [hbm4b:s6+s3], $0x80, v4, vm0, $0xb8;
	[tilespmem:$0x1E200] =	vst v63  }
0x11c: {  	s23 =	simm.s32 $0xBA00  }
0x11d: {  	[tilespmem:s23], [sflag:$0x2] =	stream.indirect_vreg.gather [hbm4b:s7+s3], $0x80, v4, vm0, $0xb8;
	[tilespmem:$0x1E200] =	vst v63  }
0x11e: {  	s25 =	simm.s32 $0xC200  }
0x11f: {  	[tilespmem:s25], [sflag:$0x2] =	stream.indirect_vreg.gather [hbm4b:s2+s3], $0x80, v3, vm0, $0xb8;
	[tilespmem:$0x1E200] =	vst v63  }
0x120: {  	s12 =	simm.s32 $0xCA00  }
0x121: {  	[tilespmem:s12], [sflag:$0x2] =	stream.indirect_vreg.gather [hbm4b:s5+s3], $0x80, v3, vm0, $0xb8;
	[tilespmem:$0x1E200] =	vst v63  }
0x122: {  	s23 =	simm.s32 $0xD200  }
0x123: {  	[tilespmem:s23], [sflag:$0x2] =	stream.indirect_vreg.gather [hbm4b:s6+s3], $0x80, v3, vm0, $0xb8;
	[tilespmem:$0x1E200] =	vst v63  }
0x124: {  	s25 =	simm.s32 $0xDA00  }
0x125: {  	[tilespmem:s25], [sflag:$0x2] =	stream.indirect_vreg.gather [hbm4b:s7+s3], $0x80, v3, vm0, $0xb8;
	[tilespmem:$0x1E200] =	vst v63  }
0x126: {  	v3 =	vld [tilespmem:$0xB0];
	_ =	sdelay $0x4  }
0x127: {  	v39 =	vshll.u32 v3, $0x3  }
0x128: {  	v3 =	vand.u32 $0x7, v3;
	v4 =	vand.u32 $0xFFFFFFC0, v39  }
0x129: {  	v3 =	vor.u32 v3, v4  }
0x12a: {  	v4 =	vperm.xlane v3, v0;
	_ =	sdelay $0x1  }
0x12b: {  	v4 =	vadd.s32 v1, v4;
	_ =	sdelay $0x3  }
0x12c: {  	s12 =	simm.s32 $0xE200  }
0x12d: {  	[tilespmem:s12], [sflag:$0x2] =	stream.indirect_vreg.gather [hbm4b:s2+s3], $0x80, v4, vm0, $0xb8;
	[tilespmem:$0x1E200] =	vst v63  }
0x12e: {  	s23 =	simm.s32 $0xEA00;
	v3 =	vperm.xlane v3, v2  }
0x12f: {  	[tilespmem:s23], [sflag:$0x2] =	stream.indirect_vreg.gather [hbm4b:s5+s3], $0x80, v4, vm0, $0xb8;
	[tilespmem:$0x1E200] =	vst v63  }
0x130: {  	s25 =	simm.s32 $0xF200;
	v3 =	vadd.s32 v1, v3  }
0x131: {  	[tilespmem:s25], [sflag:$0x2] =	stream.indirect_vreg.gather [hbm4b:s6+s3], $0x80, v4, vm0, $0xb8;
	[tilespmem:$0x1E200] =	vst v63  }
0x132: {  	s12 =	simm.s32 $0xFA00  }
0x133: {  	[tilespmem:s12], [sflag:$0x2] =	stream.indirect_vreg.gather [hbm4b:s7+s3], $0x80, v4, vm0, $0xb8;
	[tilespmem:$0x1E200] =	vst v63  }
0x134: {  	s23 =	simm.s32 $0x10200  }
0x135: {  	[tilespmem:s23], [sflag:$0x2] =	stream.indirect_vreg.gather [hbm4b:s2+s3], $0x80, v3, vm0, $0xb8;
	[tilespmem:$0x1E200] =	vst v63  }
0x136: {  	s25 =	simm.s32 $0x10A00  }
0x137: {  	[tilespmem:s25], [sflag:$0x2] =	stream.indirect_vreg.gather [hbm4b:s5+s3], $0x80, v3, vm0, $0xb8;
	[tilespmem:$0x1E200] =	vst v63  }
0x138: {  	s12 =	simm.s32 $0x11200  }
0x139: {  	[tilespmem:s12], [sflag:$0x2] =	stream.indirect_vreg.gather [hbm4b:s6+s3], $0x80, v3, vm0, $0xb8;
	[tilespmem:$0x1E200] =	vst v63  }
0x13a: {  	s23 =	simm.s32 $0x11A00  }
0x13b: {  	[tilespmem:s23], [sflag:$0x2] =	stream.indirect_vreg.gather [hbm4b:s7+s3], $0x80, v3, vm0, $0xb8;
	[tilespmem:$0x1E200] =	vst v63  }
0x13c: {  	v3 =	vld.msk [tilespmem:$0xC0], $0xff;
	_ =	sdelay $0x4  }
0x13d: {  	v40 =	vshll.u32 v3, $0x3  }
0x13e: {  	v3 =	vand.u32 $0x7, v3;
	v4 =	vand.u32 $0xFFFFFFC0, v40  }
0x13f: {  	v3 =	vor.u32 v3, v4  }
0x140: {  	v3 =	vperm.xlane v3, v0;
	_ =	sdelay $0x1  }
0x141: {  	v3 =	vadd.s32 v1, v3;
	_ =	sdelay $0x3  }
0x142: {  	s25 =	simm.s32 $0x12200  }
0x143: {  	[tilespmem:s25], [sflag:$0x2] =	stream.indirect_vreg.gather [hbm4b:s2+s3], $0x80, v3, vm0, $0xb8;
	[tilespmem:$0x1E200] =	vst v63  }
0x144: {  	s12 =	simm.s32 $0x12A00  }
0x145: {  	[tilespmem:s12], [sflag:$0x2] =	stream.indirect_vreg.gather [hbm4b:s5+s3], $0x80, v3, vm0, $0xb8;
	[tilespmem:$0x1E200] =	vst v63  }
0x146: {  	s23 =	simm.s32 $0x13200  }
0x147: {  	[tilespmem:s23], [sflag:$0x2] =	stream.indirect_vreg.gather [hbm4b:s6+s3], $0x80, v3, vm0, $0xb8;
	[tilespmem:$0x1E200] =	vst v63  }
0x148: {  	s25 =	simm.s32 $0x13A00  }
0x149: {  	[tilespmem:s25], [sflag:$0x2] =	stream.indirect_vreg.gather [hbm4b:s7+s3], $0x80, v3, vm0, $0xb8;
	[tilespmem:$0x1E200] =	vst v63  }
0x14a: {  	_ =	swait.ge [sflag:s29], $0xA000  }
0x14b: {  	[sflag:s29] =	ssyncset.done $0x0  }
0x14c: {  	s12 =	rddreg [dreg:$0x6];
	[sflag:s29] =	ssyncadd.s32 $0xFFFF6000  }
0x14d: {  	[hbm4b:s12+s3] =	stream.linear.scatter [tilespmem:s10], [sflag:$0x6], $0xA000, $0x38;
	[tilespmem:$0x1E200] =	vst v63  }
0x14e: {  	_ =	swait.ge [sflag:s30], $0xA000  }
0x14f: {  	[sflag:s30] =	ssyncset.done $0x0  }
0x150: {  	[sflag:s30] =	ssyncadd.s32 $0xFFFF6000  }
0x151: {  	v3 =	vld [tilespmem:$0xC8];
	_ =	sdelay $0x4  }
0x152: {  	v41 =	vshll.u32 v3, $0x3  }
0x153: {  	v3 =	vand.u32 $0x7, v3;
	v4 =	vand.u32 $0xFFFFFFC0, v41  }
0x154: {  	v3 =	vor.u32 v3, v4  }
0x155: {  	v4 =	vperm.xlane v3, v0;
	_ =	sdelay $0x1  }
0x156: {  	v4 =	vadd.s32 v1, v4;
	_ =	sdelay $0x4  }
0x157: {  	[tilespmem:s10], [sflag:$0x3] =	stream.indirect_vreg.gather [hbm4b:s2+s3], $0x80, v4, vm0, $0xb8;
	[tilespmem:$0x1E200] =	vst v63  }
0x158: {  	s23 =	simm.s32 $0x14A00;
	v3 =	vperm.xlane v3, v2  }
0x159: {  	[tilespmem:s23], [sflag:$0x3] =	stream.indirect_vreg.gather [hbm4b:s5+s3], $0x80, v4, vm0, $0xb8;
	[tilespmem:$0x1E200] =	vst v63  }
0x15a: {  	s25 =	simm.s32 $0x15200;
	v3 =	vadd.s32 v1, v3  }
0x15b: {  	[tilespmem:s25], [sflag:$0x3] =	stream.indirect_vreg.gather [hbm4b:s6+s3], $0x80, v4, vm0, $0xb8;
	[tilespmem:$0x1E200] =	vst v63  }
0x15c: {  	s12 =	simm.s32 $0x15A00  }
0x15d: {  	[tilespmem:s12], [sflag:$0x3] =	stream.indirect_vreg.gather [hbm4b:s7+s3], $0x80, v4, vm0, $0xb8;
	[tilespmem:$0x1E200] =	vst v63  }
0x15e: {  	s23 =	simm.s32 $0x16200  }
0x15f: {  	[tilespmem:s23], [sflag:$0x3] =	stream.indirect_vreg.gather [hbm4b:s2+s3], $0x80, v3, vm0, $0xb8;
	[tilespmem:$0x1E200] =	vst v63  }
0x160: {  	s25 =	simm.s32 $0x16A00  }
0x161: {  	[tilespmem:s25], [sflag:$0x3] =	stream.indirect_vreg.gather [hbm4b:s5+s3], $0x80, v3, vm0, $0xb8;
	[tilespmem:$0x1E200] =	vst v63  }
0x162: {  	s12 =	simm.s32 $0x17200  }
0x163: {  	[tilespmem:s12], [sflag:$0x3] =	stream.indirect_vreg.gather [hbm4b:s6+s3], $0x80, v3, vm0, $0xb8;
	[tilespmem:$0x1E200] =	vst v63  }
0x164: {  	s23 =	simm.s32 $0x17A00  }
0x165: {  	[tilespmem:s23], [sflag:$0x3] =	stream.indirect_vreg.gather [hbm4b:s7+s3], $0x80, v3, vm0, $0xb8;
	[tilespmem:$0x1E200] =	vst v63  }
0x166: {  	v3 =	vld [tilespmem:$0xD8];
	_ =	sdelay $0x4  }
0x167: {  	v42 =	vshll.u32 v3, $0x3  }
0x168: {  	v3 =	vand.u32 $0x7, v3;
	v4 =	vand.u32 $0xFFFFFFC0, v42  }
0x169: {  	v3 =	vor.u32 v3, v4  }
0x16a: {  	v4 =	vperm.xlane v3, v0;
	_ =	sdelay $0x1  }
0x16b: {  	v4 =	vadd.s32 v1, v4;
	_ =	sdelay $0x3  }
0x16c: {  	s25 =	simm.s32 $0x18200  }
0x16d: {  	[tilespmem:s25], [sflag:$0x3] =	stream.indirect_vreg.gather [hbm4b:s2+s3], $0x80, v4, vm0, $0xb8;
	[tilespmem:$0x1E200] =	vst v63  }
0x16e: {  	s12 =	simm.s32 $0x18A00;
	v3 =	vperm.xlane v3, v2  }
0x16f: {  	[tilespmem:s12], [sflag:$0x3] =	stream.indirect_vreg.gather [hbm4b:s5+s3], $0x80, v4, vm0, $0xb8;
	[tilespmem:$0x1E200] =	vst v63  }
0x170: {  	s23 =	simm.s32 $0x19200;
	v3 =	vadd.s32 v1, v3  }
0x171: {  	[tilespmem:s23], [sflag:$0x3] =	stream.indirect_vreg.gather [hbm4b:s6+s3], $0x80, v4, vm0, $0xb8;
	[tilespmem:$0x1E200] =	vst v63  }
0x172: {  	s25 =	simm.s32 $0x19A00  }
0x173: {  	[tilespmem:s25], [sflag:$0x3] =	stream.indirect_vreg.gather [hbm4b:s7+s3], $0x80, v4, vm0, $0xb8;
	[tilespmem:$0x1E200] =	vst v63  }
0x174: {  	s12 =	simm.s32 $0x1A200  }
0x175: {  	[tilespmem:s12], [sflag:$0x3] =	stream.indirect_vreg.gather [hbm4b:s2+s3], $0x80, v3, vm0, $0xb8;
	[tilespmem:$0x1E200] =	vst v63  }
0x176: {  	s23 =	simm.s32 $0x1AA00  }
0x177: {  	[tilespmem:s23], [sflag:$0x3] =	stream.indirect_vreg.gather [hbm4b:s5+s3], $0x80, v3, vm0, $0xb8;
	[tilespmem:$0x1E200] =	vst v63  }
0x178: {  	s25 =	simm.s32 $0x1B200  }
0x179: {  	[tilespmem:s25], [sflag:$0x3] =	stream.indirect_vreg.gather [hbm4b:s6+s3], $0x80, v3, vm0, $0xb8;
	[tilespmem:$0x1E200] =	vst v63  }
0x17a: {  	s12 =	simm.s32 $0x1BA00  }
0x17b: {  	[tilespmem:s12], [sflag:$0x3] =	stream.indirect_vreg.gather [hbm4b:s7+s3], $0x80, v3, vm0, $0xb8;
	[tilespmem:$0x1E200] =	vst v63  }
0x17c: {  	v3 =	vld.msk [tilespmem:$0xE8], $0xff;
	_ =	sdelay $0x4  }
0x17d: {  	v43 =	vshll.u32 v3, $0x3  }
0x17e: {  	v3 =	vand.u32 $0x7, v3;
	v4 =	vand.u32 $0xFFFFFFC0, v43  }
0x17f: {  	v3 =	vor.u32 v3, v4  }
0x180: {  	v3 =	vperm.xlane v3, v0;
	_ =	sdelay $0x1  }
0x181: {  	v3 =	vadd.s32 v1, v3;
	_ =	sdelay $0x3  }
0x182: {  	s23 =	simm.s32 $0x1C200  }
0x183: {  	[tilespmem:s23], [sflag:$0x3] =	stream.indirect_vreg.gather [hbm4b:s2+s3], $0x80, v3, vm0, $0xb8;
	[tilespmem:$0x1E200] =	vst v63  }
0x184: {  	s25 =	simm.s32 $0x1CA00  }
0x185: {  	[tilespmem:s25], [sflag:$0x3] =	stream.indirect_vreg.gather [hbm4b:s5+s3], $0x80, v3, vm0, $0xb8;
	[tilespmem:$0x1E200] =	vst v63  }
0x186: {  	s12 =	simm.s32 $0x1D200  }
0x187: {  	[tilespmem:s12], [sflag:$0x3] =	stream.indirect_vreg.gather [hbm4b:s6+s3], $0x80, v3, vm0, $0xb8;
	[tilespmem:$0x1E200] =	vst v63  }
0x188: {  	s23 =	simm.s32 $0x1DA00  }
0x189: {  	[tilespmem:s23], [sflag:$0x3] =	stream.indirect_vreg.gather [hbm4b:s7+s3], $0x80, v3, vm0, $0xb8;
	[tilespmem:$0x1E200] =	vst v63  }
0x18a: {  	_ =	swait.ge [sflag:s0], $0xA000  }
0x18b: {  	[sflag:s0] =	ssyncset.done $0x0  }
0x18c: {  	s25 =	rddreg [dreg:$0x7];
	[sflag:s0] =	ssyncadd.s32 $0xFFFF6000  }
0x18d: {  	[hbm4b:s25+s3] =	stream.linear.scatter [tilespmem:s15], [sflag:$0x4], $0xA000, $0x38;
	[tilespmem:$0x1E200] =	vst v63  }
0x18e: {  	_ =	swait.ge [sflag:s4], $0xA000  }
0x18f: {  	[sflag:s4] =	ssyncset.done $0x0  }
0x190: {  	[sflag:s4] =	ssyncadd.s32 $0xFFFF6000  }
0x191: {  	v3 =	vld [tilespmem:$0xF0];
	_ =	sdelay $0x4  }
0x192: {  	v44 =	vshll.u32 v3, $0x3  }
0x193: {  	v3 =	vand.u32 $0x7, v3;
	v4 =	vand.u32 $0xFFFFFFC0, v44  }
0x194: {  	v3 =	vor.u32 v3, v4  }
0x195: {  	v4 =	vperm.xlane v3, v0;
	_ =	sdelay $0x1  }
0x196: {  	v4 =	vadd.s32 v1, v4;
	_ =	sdelay $0x4  }
0x197: {  	[tilespmem:s15], [sflag:$0x1] =	stream.indirect_vreg.gather [hbm4b:s2+s3], $0x80, v4, vm0, $0xb8;
	[tilespmem:$0x1E200] =	vst v63  }
0x198: {  	s12 =	simm.s32 $0xA00;
	v3 =	vperm.xlane v3, v2  }
0x199: {  	[tilespmem:s12], [sflag:$0x1] =	stream.indirect_vreg.gather [hbm4b:s5+s3], $0x80, v4, vm0, $0xb8;
	[tilespmem:$0x1E200] =	vst v63  }
0x19a: {  	s24 =	simm.s32 $0x1200;
	v3 =	vadd.s32 v1, v3  }
0x19b: {  	[tilespmem:s24], [sflag:$0x1] =	stream.indirect_vreg.gather [hbm4b:s6+s3], $0x80, v4, vm0, $0xb8;
	[tilespmem:$0x1E200] =	vst v63  }
0x19c: {  	s23 =	simm.s32 $0x1A00  }
0x19d: {  	[tilespmem:s23], [sflag:$0x1] =	stream.indirect_vreg.gather [hbm4b:s7+s3], $0x80, v4, vm0, $0xb8;
	[tilespmem:$0x1E200] =	vst v63  }
0x19e: {  	s25 =	simm.s32 $0x2200  }
0x19f: {  	[tilespmem:s25], [sflag:$0x1] =	stream.indirect_vreg.gather [hbm4b:s2+s3], $0x80, v3, vm0, $0xb8;
	[tilespmem:$0x1E200] =	vst v63  }
0x1a0: {  	s17 =	simm.s32 $0x2A00  }
0x1a1: {  	[tilespmem:s17], [sflag:$0x1] =	stream.indirect_vreg.gather [hbm4b:s5+s3], $0x80, v3, vm0, $0xb8;
	[tilespmem:$0x1E200] =	vst v63  }
0x1a2: {  	s18 =	simm.s32 $0x3200  }
0x1a3: {  	[tilespmem:s18], [sflag:$0x1] =	stream.indirect_vreg.gather [hbm4b:s6+s3], $0x80, v3, vm0, $0xb8;
	[tilespmem:$0x1E200] =	vst v63  }
0x1a4: {  	s16 =	simm.s32 $0x3A00  }
0x1a5: {  	[tilespmem:s16], [sflag:$0x1] =	stream.indirect_vreg.gather [hbm4b:s7+s3], $0x80, v3, vm0, $0xb8;
	[tilespmem:$0x1E200] =	vst v63  }
0x1a6: {  	v3 =	vld [tilespmem:$0x100];
	_ =	sdelay $0x4  }
0x1a7: {  	v45 =	vshll.u32 v3, $0x3  }
0x1a8: {  	v3 =	vand.u32 $0x7, v3;
	v4 =	vand.u32 $0xFFFFFFC0, v45  }
0x1a9: {  	v3 =	vor.u32 v3, v4  }
0x1aa: {  	v4 =	vperm.xlane v3, v0;
	_ =	sdelay $0x1  }
0x1ab: {  	v4 =	vadd.s32 v1, v4;
	_ =	sdelay $0x3  }
0x1ac: {  	s31 =	simm.s32 $0x4200  }
0x1ad: {  	[tilespmem:s31], [sflag:$0x1] =	stream.indirect_vreg.gather [hbm4b:s2+s3], $0x80, v4, vm0, $0xb8;
	[tilespmem:$0x1E200] =	vst v63  }
0x1ae: {  	s14 =	simm.s32 $0x4A00;
	v3 =	vperm.xlane v3, v2  }
0x1af: {  	[tilespmem:s14], [sflag:$0x1] =	stream.indirect_vreg.gather [hbm4b:s5+s3], $0x80, v4, vm0, $0xb8;
	[tilespmem:$0x1E200] =	vst v63  }
0x1b0: {  	s13 =	simm.s32 $0x5200;
	v3 =	vadd.s32 v1, v3  }
0x1b1: {  	[tilespmem:s13], [sflag:$0x1] =	stream.indirect_vreg.gather [hbm4b:s6+s3], $0x80, v4, vm0, $0xb8;
	[tilespmem:$0x1E200] =	vst v63  }
0x1b2: {  	s19 =	simm.s32 $0x5A00  }
0x1b3: {  	[tilespmem:s19], [sflag:$0x1] =	stream.indirect_vreg.gather [hbm4b:s7+s3], $0x80, v4, vm0, $0xb8;
	[tilespmem:$0x1E200] =	vst v63  }
0x1b4: {  	s20 =	simm.s32 $0x6200  }
0x1b5: {  	[tilespmem:s20], [sflag:$0x1] =	stream.indirect_vreg.gather [hbm4b:s2+s3], $0x80, v3, vm0, $0xb8;
	[tilespmem:$0x1E200] =	vst v63  }
0x1b6: {  	s21 =	simm.s32 $0x6A00  }
0x1b7: {  	[tilespmem:s21], [sflag:$0x1] =	stream.indirect_vreg.gather [hbm4b:s5+s3], $0x80, v3, vm0, $0xb8;
	[tilespmem:$0x1E200] =	vst v63  }
0x1b8: {  	s22 =	simm.s32 $0x7200  }
0x1b9: {  	[tilespmem:s22], [sflag:$0x1] =	stream.indirect_vreg.gather [hbm4b:s6+s3], $0x80, v3, vm0, $0xb8;
	[tilespmem:$0x1E200] =	vst v63  }
0x1ba: {  	s11 =	simm.s32 $0x7A00  }
0x1bb: {  	[tilespmem:s11], [sflag:$0x1] =	stream.indirect_vreg.gather [hbm4b:s7+s3], $0x80, v3, vm0, $0xb8;
	[tilespmem:$0x1E200] =	vst v63  }
0x1bc: {  	v3 =	vld.msk [tilespmem:$0x110], $0xff;
	_ =	sdelay $0x4  }
0x1bd: {  	v46 =	vshll.u32 v3, $0x3  }
0x1be: {  	v3 =	vand.u32 $0x7, v3;
	v4 =	vand.u32 $0xFFFFFFC0, v46  }
0x1bf: {  	v3 =	vor.u32 v3, v4  }
0x1c0: {  	v3 =	vperm.xlane v3, v0;
	_ =	sdelay $0x1  }
0x1c1: {  	v3 =	vadd.s32 v1, v3;
	_ =	sdelay $0x3  }
0x1c2: {  	s22 =	simm.s32 $0x8200  }
0x1c3: {  	[tilespmem:s22], [sflag:$0x1] =	stream.indirect_vreg.gather [hbm4b:s2+s3], $0x80, v3, vm0, $0xb8;
	[tilespmem:$0x1E200] =	vst v63  }
0x1c4: {  	s11 =	simm.s32 $0x8A00  }
0x1c5: {  	[tilespmem:s11], [sflag:$0x1] =	stream.indirect_vreg.gather [hbm4b:s5+s3], $0x80, v3, vm0, $0xb8;
	[tilespmem:$0x1E200] =	vst v63  }
0x1c6: {  	s19 =	simm.s32 $0x9200  }
0x1c7: {  	[tilespmem:s19], [sflag:$0x1] =	stream.indirect_vreg.gather [hbm4b:s6+s3], $0x80, v3, vm0, $0xb8;
	[tilespmem:$0x1E200] =	vst v63  }
0x1c8: {  	s20 =	simm.s32 $0x9A00  }
0x1c9: {  	[tilespmem:s20], [sflag:$0x1] =	stream.indirect_vreg.gather [hbm4b:s7+s3], $0x80, v3, vm0, $0xb8;
	[tilespmem:$0x1E200] =	vst v63  }
0x1ca: {  	_ =	swait.ge [sflag:s26], $0xA000  }
0x1cb: {  	[sflag:s26] =	ssyncset.done $0x0  }
0x1cc: {  	s22 =	rddreg [dreg:$0x8];
	[sflag:s26] =	ssyncadd.s32 $0xFFFF6000  }
0x1cd: {  	[hbm4b:s22+s3] =	stream.linear.scatter [tilespmem:s9], [sflag:$0x5], $0xA000, $0x38;
	[tilespmem:$0x1E200] =	vst v63  }
0x1ce: {  	_ =	swait.ge [sflag:s28], $0xA000  }
0x1cf: {  	[sflag:s28] =	ssyncset.done $0x0  }
0x1d0: {  	[sflag:s28] =	ssyncadd.s32 $0xFFFF6000  }
0x1d1: {  	v3 =	vld [tilespmem:$0x118];
	_ =	sdelay $0x4  }
0x1d2: {  	v47 =	vshll.u32 v3, $0x3  }
0x1d3: {  	v3 =	vand.u32 $0x7, v3;
	v4 =	vand.u32 $0xFFFFFFC0, v47  }
0x1d4: {  	v3 =	vor.u32 v3, v4  }
0x1d5: {  	v4 =	vperm.xlane v3, v0;
	_ =	sdelay $0x1  }
0x1d6: {  	v4 =	vadd.s32 v1, v4;
	_ =	sdelay $0x4  }
0x1d7: {  	[tilespmem:s9], [sflag:$0x2] =	stream.indirect_vreg.gather [hbm4b:s2+s3], $0x80, v4, vm0, $0xb8;
	[tilespmem:$0x1E200] =	vst v63  }
0x1d8: {  	s11 =	simm.s32 $0xAA00;
	v3 =	vperm.xlane v3, v2  }
0x1d9: {  	[tilespmem:s11], [sflag:$0x2] =	stream.indirect_vreg.gather [hbm4b:s5+s3], $0x80, v4, vm0, $0xb8;
	[tilespmem:$0x1E200] =	vst v63  }
0x1da: {  	s19 =	simm.s32 $0xB200;
	v3 =	vadd.s32 v1, v3  }
0x1db: {  	[tilespmem:s19], [sflag:$0x2] =	stream.indirect_vreg.gather [hbm4b:s6+s3], $0x80, v4, vm0, $0xb8;
	[tilespmem:$0x1E200] =	vst v63  }
0x1dc: {  	s20 =	simm.s32 $0xBA00  }
0x1dd: {  	[tilespmem:s20], [sflag:$0x2] =	stream.indirect_vreg.gather [hbm4b:s7+s3], $0x80, v4, vm0, $0xb8;
	[tilespmem:$0x1E200] =	vst v63  }
0x1de: {  	s22 =	simm.s32 $0xC200  }
0x1df: {  	[tilespmem:s22], [sflag:$0x2] =	stream.indirect_vreg.gather [hbm4b:s2+s3], $0x80, v3, vm0, $0xb8;
	[tilespmem:$0x1E200] =	vst v63  }
0x1e0: {  	s11 =	simm.s32 $0xCA00  }
0x1e1: {  	[tilespmem:s11], [sflag:$0x2] =	stream.indirect_vreg.gather [hbm4b:s5+s3], $0x80, v3, vm0, $0xb8;
	[tilespmem:$0x1E200] =	vst v63  }
0x1e2: {  	s19 =	simm.s32 $0xD200  }
0x1e3: {  	[tilespmem:s19], [sflag:$0x2] =	stream.indirect_vreg.gather [hbm4b:s6+s3], $0x80, v3, vm0, $0xb8;
	[tilespmem:$0x1E200] =	vst v63  }
0x1e4: {  	s20 =	simm.s32 $0xDA00  }
0x1e5: {  	[tilespmem:s20], [sflag:$0x2] =	stream.indirect_vreg.gather [hbm4b:s7+s3], $0x80, v3, vm0, $0xb8;
	[tilespmem:$0x1E200] =	vst v63  }
0x1e6: {  	v3 =	vld [tilespmem:$0x128];
	_ =	sdelay $0x4  }
0x1e7: {  	v48 =	vshll.u32 v3, $0x3  }
0x1e8: {  	v3 =	vand.u32 $0x7, v3;
	v4 =	vand.u32 $0xFFFFFFC0, v48  }
0x1e9: {  	v3 =	vor.u32 v3, v4  }
0x1ea: {  	v4 =	vperm.xlane v3, v0;
	_ =	sdelay $0x1  }
0x1eb: {  	v4 =	vadd.s32 v1, v4;
	_ =	sdelay $0x3  }
0x1ec: {  	s22 =	simm.s32 $0xE200  }
0x1ed: {  	[tilespmem:s22], [sflag:$0x2] =	stream.indirect_vreg.gather [hbm4b:s2+s3], $0x80, v4, vm0, $0xb8;
	[tilespmem:$0x1E200] =	vst v63  }
0x1ee: {  	s11 =	simm.s32 $0xEA00;
	v3 =	vperm.xlane v3, v2  }
0x1ef: {  	[tilespmem:s11], [sflag:$0x2] =	stream.indirect_vreg.gather [hbm4b:s5+s3], $0x80, v4, vm0, $0xb8;
	[tilespmem:$0x1E200] =	vst v63  }
0x1f0: {  	s19 =	simm.s32 $0xF200;
	v3 =	vadd.s32 v1, v3  }
0x1f1: {  	[tilespmem:s19], [sflag:$0x2] =	stream.indirect_vreg.gather [hbm4b:s6+s3], $0x80, v4, vm0, $0xb8;
	[tilespmem:$0x1E200] =	vst v63  }
0x1f2: {  	s20 =	simm.s32 $0xFA00  }
0x1f3: {  	[tilespmem:s20], [sflag:$0x2] =	stream.indirect_vreg.gather [hbm4b:s7+s3], $0x80, v4, vm0, $0xb8;
	[tilespmem:$0x1E200] =	vst v63  }
0x1f4: {  	s22 =	simm.s32 $0x10200  }
0x1f5: {  	[tilespmem:s22], [sflag:$0x2] =	stream.indirect_vreg.gather [hbm4b:s2+s3], $0x80, v3, vm0, $0xb8;
	[tilespmem:$0x1E200] =	vst v63  }
0x1f6: {  	s11 =	simm.s32 $0x10A00  }
0x1f7: {  	[tilespmem:s11], [sflag:$0x2] =	stream.indirect_vreg.gather [hbm4b:s5+s3], $0x80, v3, vm0, $0xb8;
	[tilespmem:$0x1E200] =	vst v63  }
0x1f8: {  	s19 =	simm.s32 $0x11200  }
0x1f9: {  	[tilespmem:s19], [sflag:$0x2] =	stream.indirect_vreg.gather [hbm4b:s6+s3], $0x80, v3, vm0, $0xb8;
	[tilespmem:$0x1E200] =	vst v63  }
0x1fa: {  	s20 =	simm.s32 $0x11A00  }
0x1fb: {  	[tilespmem:s20], [sflag:$0x2] =	stream.indirect_vreg.gather [hbm4b:s7+s3], $0x80, v3, vm0, $0xb8;
	[tilespmem:$0x1E200] =	vst v63  }
0x1fc: {  	v3 =	vld.msk [tilespmem:$0x138], $0xff;
	_ =	sdelay $0x4  }
0x1fd: {  	v49 =	vshll.u32 v3, $0x3  }
0x1fe: {  	v3 =	vand.u32 $0x7, v3;
	v4 =	vand.u32 $0xFFFFFFC0, v49  }
0x1ff: {  	v3 =	vor.u32 v3, v4  }
0x200: {  	v3 =	vperm.xlane v3, v0;
	_ =	sdelay $0x1  }
0x201: {  	v3 =	vadd.s32 v1, v3;
	_ =	sdelay $0x3  }
0x202: {  	s22 =	simm.s32 $0x12200  }
0x203: {  	[tilespmem:s22], [sflag:$0x2] =	stream.indirect_vreg.gather [hbm4b:s2+s3], $0x80, v3, vm0, $0xb8;
	[tilespmem:$0x1E200] =	vst v63  }
0x204: {  	s11 =	simm.s32 $0x12A00  }
0x205: {  	[tilespmem:s11], [sflag:$0x2] =	stream.indirect_vreg.gather [hbm4b:s5+s3], $0x80, v3, vm0, $0xb8;
	[tilespmem:$0x1E200] =	vst v63  }
0x206: {  	s19 =	simm.s32 $0x13200  }
0x207: {  	[tilespmem:s19], [sflag:$0x2] =	stream.indirect_vreg.gather [hbm4b:s6+s3], $0x80, v3, vm0, $0xb8;
	[tilespmem:$0x1E200] =	vst v63  }
0x208: {  	s20 =	simm.s32 $0x13A00  }
0x209: {  	[tilespmem:s20], [sflag:$0x2] =	stream.indirect_vreg.gather [hbm4b:s7+s3], $0x80, v3, vm0, $0xb8;
	[tilespmem:$0x1E200] =	vst v63  }
0x20a: {  	_ =	swait.ge [sflag:s29], $0xA000  }
0x20b: {  	[sflag:s29] =	ssyncset.done $0x0  }
0x20c: {  	s22 =	rddreg [dreg:$0x9];
	[sflag:s29] =	ssyncadd.s32 $0xFFFF6000  }
0x20d: {  	[hbm4b:s22+s3] =	stream.linear.scatter [tilespmem:s10], [sflag:$0x6], $0xA000, $0x38;
	[tilespmem:$0x1E200] =	vst v63  }
0x20e: {  	_ =	swait.ge [sflag:s30], $0xA000  }
0x20f: {  	[sflag:s30] =	ssyncset.done $0x0  }
0x210: {  	[sflag:s30] =	ssyncadd.s32 $0xFFFF6000  }
0x211: {  	v3 =	vld [tilespmem:$0x140];
	_ =	sdelay $0x4  }
0x212: {  	v50 =	vshll.u32 v3, $0x3  }
0x213: {  	v3 =	vand.u32 $0x7, v3;
	v4 =	vand.u32 $0xFFFFFFC0, v50  }
0x214: {  	v3 =	vor.u32 v3, v4  }
0x215: {  	v4 =	vperm.xlane v3, v0;
	_ =	sdelay $0x1  }
0x216: {  	v4 =	vadd.s32 v1, v4;
	_ =	sdelay $0x4  }
0x217: {  	[tilespmem:s10], [sflag:$0x3] =	stream.indirect_vreg.gather [hbm4b:s2+s3], $0x80, v4, vm0, $0xb8;
	[tilespmem:$0x1E200] =	vst v63  }
0x218: {  	s11 =	simm.s32 $0x14A00;
	v3 =	vperm.xlane v3, v2  }
0x219: {  	[tilespmem:s11], [sflag:$0x3] =	stream.indirect_vreg.gather [hbm4b:s5+s3], $0x80, v4, vm0, $0xb8;
	[tilespmem:$0x1E200] =	vst v63  }
0x21a: {  	s19 =	simm.s32 $0x15200;
	v3 =	vadd.s32 v1, v3  }
0x21b: {  	[tilespmem:s19], [sflag:$0x3] =	stream.indirect_vreg.gather [hbm4b:s6+s3], $0x80, v4, vm0, $0xb8;
	[tilespmem:$0x1E200] =	vst v63  }
0x21c: {  	s20 =	simm.s32 $0x15A00  }
0x21d: {  	[tilespmem:s20], [sflag:$0x3] =	stream.indirect_vreg.gather [hbm4b:s7+s3], $0x80, v4, vm0, $0xb8;
	[tilespmem:$0x1E200] =	vst v63  }
0x21e: {  	s22 =	simm.s32 $0x16200  }
0x21f: {  	[tilespmem:s22], [sflag:$0x3] =	stream.indirect_vreg.gather [hbm4b:s2+s3], $0x80, v3, vm0, $0xb8;
	[tilespmem:$0x1E200] =	vst v63  }
0x220: {  	s11 =	simm.s32 $0x16A00  }
0x221: {  	[tilespmem:s11], [sflag:$0x3] =	stream.indirect_vreg.gather [hbm4b:s5+s3], $0x80, v3, vm0, $0xb8;
	[tilespmem:$0x1E200] =	vst v63  }
0x222: {  	s19 =	simm.s32 $0x17200  }
0x223: {  	[tilespmem:s19], [sflag:$0x3] =	stream.indirect_vreg.gather [hbm4b:s6+s3], $0x80, v3, vm0, $0xb8;
	[tilespmem:$0x1E200] =	vst v63  }
0x224: {  	s20 =	simm.s32 $0x17A00  }
0x225: {  	[tilespmem:s20], [sflag:$0x3] =	stream.indirect_vreg.gather [hbm4b:s7+s3], $0x80, v3, vm0, $0xb8;
	[tilespmem:$0x1E200] =	vst v63  }
0x226: {  	v3 =	vld [tilespmem:$0x150];
	_ =	sdelay $0x4  }
0x227: {  	v51 =	vshll.u32 v3, $0x3  }
0x228: {  	v3 =	vand.u32 $0x7, v3;
	v4 =	vand.u32 $0xFFFFFFC0, v51  }
0x229: {  	v3 =	vor.u32 v3, v4  }
0x22a: {  	v4 =	vperm.xlane v3, v0;
	_ =	sdelay $0x1  }
0x22b: {  	v4 =	vadd.s32 v1, v4;
	_ =	sdelay $0x3  }
0x22c: {  	s22 =	simm.s32 $0x18200  }
0x22d: {  	[tilespmem:s22], [sflag:$0x3] =	stream.indirect_vreg.gather [hbm4b:s2+s3], $0x80, v4, vm0, $0xb8;
	[tilespmem:$0x1E200] =	vst v63  }
0x22e: {  	s11 =	simm.s32 $0x18A00;
	v3 =	vperm.xlane v3, v2  }
0x22f: {  	[tilespmem:s11], [sflag:$0x3] =	stream.indirect_vreg.gather [hbm4b:s5+s3], $0x80, v4, vm0, $0xb8;
	[tilespmem:$0x1E200] =	vst v63  }
0x230: {  	s19 =	simm.s32 $0x19200;
	v3 =	vadd.s32 v1, v3  }
0x231: {  	[tilespmem:s19], [sflag:$0x3] =	stream.indirect_vreg.gather [hbm4b:s6+s3], $0x80, v4, vm0, $0xb8;
	[tilespmem:$0x1E200] =	vst v63  }
0x232: {  	s20 =	simm.s32 $0x19A00  }
0x233: {  	[tilespmem:s20], [sflag:$0x3] =	stream.indirect_vreg.gather [hbm4b:s7+s3], $0x80, v4, vm0, $0xb8;
	[tilespmem:$0x1E200] =	vst v63  }
0x234: {  	s22 =	simm.s32 $0x1A200  }
0x235: {  	[tilespmem:s22], [sflag:$0x3] =	stream.indirect_vreg.gather [hbm4b:s2+s3], $0x80, v3, vm0, $0xb8;
	[tilespmem:$0x1E200] =	vst v63  }
0x236: {  	s11 =	simm.s32 $0x1AA00  }
0x237: {  	[tilespmem:s11], [sflag:$0x3] =	stream.indirect_vreg.gather [hbm4b:s5+s3], $0x80, v3, vm0, $0xb8;
	[tilespmem:$0x1E200] =	vst v63  }
0x238: {  	s19 =	simm.s32 $0x1B200  }
0x239: {  	[tilespmem:s19], [sflag:$0x3] =	stream.indirect_vreg.gather [hbm4b:s6+s3], $0x80, v3, vm0, $0xb8;
	[tilespmem:$0x1E200] =	vst v63  }
0x23a: {  	s20 =	simm.s32 $0x1BA00  }
0x23b: {  	[tilespmem:s20], [sflag:$0x3] =	stream.indirect_vreg.gather [hbm4b:s7+s3], $0x80, v3, vm0, $0xb8;
	[tilespmem:$0x1E200] =	vst v63  }
0x23c: {  	v3 =	vld.msk [tilespmem:$0x160], $0xff;
	_ =	sdelay $0x4  }
0x23d: {  	v52 =	vshll.u32 v3, $0x3  }
0x23e: {  	v3 =	vand.u32 $0x7, v3;
	v4 =	vand.u32 $0xFFFFFFC0, v52  }
0x23f: {  	v3 =	vor.u32 v3, v4  }
0x240: {  	v3 =	vperm.xlane v3, v0;
	_ =	sdelay $0x1  }
0x241: {  	v3 =	vadd.s32 v1, v3;
	_ =	sdelay $0x3  }
0x242: {  	s22 =	simm.s32 $0x1C200  }
0x243: {  	[tilespmem:s22], [sflag:$0x3] =	stream.indirect_vreg.gather [hbm4b:s2+s3], $0x80, v3, vm0, $0xb8;
	[tilespmem:$0x1E200] =	vst v63  }
0x244: {  	s11 =	simm.s32 $0x1CA00  }
0x245: {  	[tilespmem:s11], [sflag:$0x3] =	stream.indirect_vreg.gather [hbm4b:s5+s3], $0x80, v3, vm0, $0xb8;
	[tilespmem:$0x1E200] =	vst v63  }
0x246: {  	s19 =	simm.s32 $0x1D200  }
0x247: {  	[tilespmem:s19], [sflag:$0x3] =	stream.indirect_vreg.gather [hbm4b:s6+s3], $0x80, v3, vm0, $0xb8;
	[tilespmem:$0x1E200] =	vst v63  }
0x248: {  	s20 =	simm.s32 $0x1DA00  }
0x249: {  	[tilespmem:s20], [sflag:$0x3] =	stream.indirect_vreg.gather [hbm4b:s7+s3], $0x80, v3, vm0, $0xb8;
	[tilespmem:$0x1E200] =	vst v63  }
0x24a: {  	_ =	swait.ge [sflag:s0], $0xA000  }
0x24b: {  	[sflag:s0] =	ssyncset.done $0x0  }
0x24c: {  	s22 =	rddreg [dreg:$0xa];
	[sflag:s0] =	ssyncadd.s32 $0xFFFF6000  }
0x24d: {  	[hbm4b:s22+s3] =	stream.linear.scatter [tilespmem:s15], [sflag:$0x4], $0xA000, $0x38;
	[tilespmem:$0x1E200] =	vst v63  }
0x24e: {  	_ =	swait.ge [sflag:s4], $0xA000  }
0x24f: {  	[sflag:s4] =	ssyncset.done $0x0  }
0x250: {  	[sflag:s4] =	ssyncadd.s32 $0xFFFF6000  }
0x251: {  	v3 =	vld [tilespmem:$0x168];
	_ =	sdelay $0x4  }
0x252: {  	v53 =	vshll.u32 v3, $0x3  }
0x253: {  	v3 =	vand.u32 $0x7, v3;
	v4 =	vand.u32 $0xFFFFFFC0, v53  }
0x254: {  	v3 =	vor.u32 v3, v4  }
0x255: {  	v4 =	vperm.xlane v3, v0;
	_ =	sdelay $0x1  }
0x256: {  	v4 =	vadd.s32 v1, v4;
	_ =	sdelay $0x4  }
0x257: {  	[tilespmem:s15], [sflag:$0x1] =	stream.indirect_vreg.gather [hbm4b:s2+s3], $0x80, v4, vm0, $0xb8;
	[tilespmem:$0x1E200] =	vst v63  }
0x258: {  	s12 =	simm.s32 $0xA00;
	v3 =	vperm.xlane v3, v2  }
0x259: {  	[tilespmem:s12], [sflag:$0x1] =	stream.indirect_vreg.gather [hbm4b:s5+s3], $0x80, v4, vm0, $0xb8;
	[tilespmem:$0x1E200] =	vst v63  }
0x25a: {  	s24 =	simm.s32 $0x1200;
	v3 =	vadd.s32 v1, v3  }
0x25b: {  	[tilespmem:s24], [sflag:$0x1] =	stream.indirect_vreg.gather [hbm4b:s6+s3], $0x80, v4, vm0, $0xb8;
	[tilespmem:$0x1E200] =	vst v63  }
0x25c: {  	s24 =	simm.s32 $0x1A00  }
0x25d: {  	[tilespmem:s24], [sflag:$0x1] =	stream.indirect_vreg.gather [hbm4b:s7+s3], $0x80, v4, vm0, $0xb8;
	[tilespmem:$0x1E200] =	vst v63  }
0x25e: {  	s12 =	simm.s32 $0x2200  }
0x25f: {  	[tilespmem:s12], [sflag:$0x1] =	stream.indirect_vreg.gather [hbm4b:s2+s3], $0x80, v3, vm0, $0xb8;
	[tilespmem:$0x1E200] =	vst v63  }
0x260: {  	s25 =	simm.s32 $0x2A00  }
0x261: {  	[tilespmem:s25], [sflag:$0x1] =	stream.indirect_vreg.gather [hbm4b:s5+s3], $0x80, v3, vm0, $0xb8;
	[tilespmem:$0x1E200] =	vst v63  }
0x262: {  	s18 =	simm.s32 $0x3200  }
0x263: {  	[tilespmem:s18], [sflag:$0x1] =	stream.indirect_vreg.gather [hbm4b:s6+s3], $0x80, v3, vm0, $0xb8;
	[tilespmem:$0x1E200] =	vst v63  }
0x264: {  	s16 =	simm.s32 $0x3A00  }
0x265: {  	[tilespmem:s16], [sflag:$0x1] =	stream.indirect_vreg.gather [hbm4b:s7+s3], $0x80, v3, vm0, $0xb8;
	[tilespmem:$0x1E200] =	vst v63  }
0x266: {  	v3 =	vld [tilespmem:$0x178];
	_ =	sdelay $0x4  }
0x267: {  	v54 =	vshll.u32 v3, $0x3  }
0x268: {  	v3 =	vand.u32 $0x7, v3;
	v4 =	vand.u32 $0xFFFFFFC0, v54  }
0x269: {  	v3 =	vor.u32 v3, v4  }
0x26a: {  	v4 =	vperm.xlane v3, v0;
	_ =	sdelay $0x1  }
0x26b: {  	v4 =	vadd.s32 v1, v4;
	_ =	sdelay $0x3  }
0x26c: {  	s18 =	simm.s32 $0x4200  }
0x26d: {  	[tilespmem:s18], [sflag:$0x1] =	stream.indirect_vreg.gather [hbm4b:s2+s3], $0x80, v4, vm0, $0xb8;
	[tilespmem:$0x1E200] =	vst v63  }
0x26e: {  	s23 =	simm.s32 $0x4A00;
	v3 =	vperm.xlane v3, v2  }
0x26f: {  	[tilespmem:s23], [sflag:$0x1] =	stream.indirect_vreg.gather [hbm4b:s5+s3], $0x80, v4, vm0, $0xb8;
	[tilespmem:$0x1E200] =	vst v63  }
0x270: {  	s13 =	simm.s32 $0x5200;
	v3 =	vadd.s32 v1, v3  }
0x271: {  	[tilespmem:s13], [sflag:$0x1] =	stream.indirect_vreg.gather [hbm4b:s6+s3], $0x80, v4, vm0, $0xb8;
	[tilespmem:$0x1E200] =	vst v63  }
0x272: {  	s14 =	simm.s32 $0x5A00  }
0x273: {  	[tilespmem:s14], [sflag:$0x1] =	stream.indirect_vreg.gather [hbm4b:s7+s3], $0x80, v4, vm0, $0xb8;
	[tilespmem:$0x1E200] =	vst v63  }
0x274: {  	s17 =	simm.s32 $0x6200  }
0x275: {  	[tilespmem:s17], [sflag:$0x1] =	stream.indirect_vreg.gather [hbm4b:s2+s3], $0x80, v3, vm0, $0xb8;
	[tilespmem:$0x1E200] =	vst v63  }
0x276: {  	s21 =	simm.s32 $0x6A00  }
0x277: {  	[tilespmem:s21], [sflag:$0x1] =	stream.indirect_vreg.gather [hbm4b:s5+s3], $0x80, v3, vm0, $0xb8;
	[tilespmem:$0x1E200] =	vst v63  }
0x278: {  	s31 =	simm.s32 $0x7200  }
0x279: {  	[tilespmem:s31], [sflag:$0x1] =	stream.indirect_vreg.gather [hbm4b:s6+s3], $0x80, v3, vm0, $0xb8;
	[tilespmem:$0x1E200] =	vst v63  }
0x27a: {  	s23 =	simm.s32 $0x7A00  }
0x27b: {  	[tilespmem:s23], [sflag:$0x1] =	stream.indirect_vreg.gather [hbm4b:s7+s3], $0x80, v3, vm0, $0xb8;
	[tilespmem:$0x1E200] =	vst v63  }
0x27c: {  	v3 =	vld.msk [tilespmem:$0x188], $0xff;
	_ =	sdelay $0x4  }
0x27d: {  	v55 =	vshll.u32 v3, $0x3  }
0x27e: {  	v3 =	vand.u32 $0x7, v3;
	v4 =	vand.u32 $0xFFFFFFC0, v55  }
0x27f: {  	v3 =	vor.u32 v3, v4  }
0x280: {  	v3 =	vperm.xlane v3, v0;
	_ =	sdelay $0x1  }
0x281: {  	v3 =	vadd.s32 v1, v3;
	_ =	sdelay $0x3  }
0x282: {  	s31 =	simm.s32 $0x8200  }
0x283: {  	[tilespmem:s31], [sflag:$0x1] =	stream.indirect_vreg.gather [hbm4b:s2+s3], $0x80, v3, vm0, $0xb8;
	[tilespmem:$0x1E200] =	vst v63  }
0x284: {  	s31 =	simm.s32 $0x8A00  }
0x285: {  	[tilespmem:s31], [sflag:$0x1] =	stream.indirect_vreg.gather [hbm4b:s5+s3], $0x80, v3, vm0, $0xb8;
	[tilespmem:$0x1E200] =	vst v63  }
0x286: {  	s31 =	simm.s32 $0x9200  }
0x287: {  	[tilespmem:s31], [sflag:$0x1] =	stream.indirect_vreg.gather [hbm4b:s6+s3], $0x80, v3, vm0, $0xb8;
	[tilespmem:$0x1E200] =	vst v63  }
0x288: {  	s31 =	simm.s32 $0x9A00  }
0x289: {  	[tilespmem:s31], [sflag:$0x1] =	stream.indirect_vreg.gather [hbm4b:s7+s3], $0x80, v3, vm0, $0xb8;
	[tilespmem:$0x1E200] =	vst v63  }
0x28a: {  	_ =	swait.ge [sflag:s26], $0xA000  }
0x28b: {  	[sflag:s26] =	ssyncset.done $0x0  }
0x28c: {  	s31 =	rddreg [dreg:$0xb];
	[sflag:s26] =	ssyncadd.s32 $0xFFFF6000  }
0x28d: {  	[hbm4b:s31+s3] =	stream.linear.scatter [tilespmem:s9], [sflag:$0x5], $0xA000, $0x38;
	[tilespmem:$0x1E200] =	vst v63  }
0x28e: {  	_ =	swait.ge [sflag:s28], $0xA000  }
0x28f: {  	[sflag:s28] =	ssyncset.done $0x0  }
0x290: {  	[sflag:s28] =	ssyncadd.s32 $0xFFFF6000  }
0x291: {  	v3 =	vld [tilespmem:$0x190];
	_ =	sdelay $0x4  }
0x292: {  	v56 =	vshll.u32 v3, $0x3  }
0x293: {  	v3 =	vand.u32 $0x7, v3;
	v4 =	vand.u32 $0xFFFFFFC0, v56  }
0x294: {  	v3 =	vor.u32 v3, v4  }
0x295: {  	v4 =	vperm.xlane v3, v0;
	_ =	sdelay $0x1  }
0x296: {  	v4 =	vadd.s32 v1, v4;
	_ =	sdelay $0x4  }
0x297: {  	[tilespmem:s9], [sflag:$0x2] =	stream.indirect_vreg.gather [hbm4b:s2+s3], $0x80, v4, vm0, $0xb8;
	[tilespmem:$0x1E200] =	vst v63  }
0x298: {  	s31 =	simm.s32 $0xAA00;
	v3 =	vperm.xlane v3, v2  }
0x299: {  	[tilespmem:s31], [sflag:$0x2] =	stream.indirect_vreg.gather [hbm4b:s5+s3], $0x80, v4, vm0, $0xb8;
	[tilespmem:$0x1E200] =	vst v63  }
0x29a: {  	v3 =	vadd.s32 v1, v3;
	s31 =	simm.s32 $0xB200  }
0x29b: {  	[tilespmem:s31], [sflag:$0x2] =	stream.indirect_vreg.gather [hbm4b:s6+s3], $0x80, v4, vm0, $0xb8;
	[tilespmem:$0x1E200] =	vst v63  }
0x29c: {  	s31 =	simm.s32 $0xBA00  }
0x29d: {  	[tilespmem:s31], [sflag:$0x2] =	stream.indirect_vreg.gather [hbm4b:s7+s3], $0x80, v4, vm0, $0xb8;
	[tilespmem:$0x1E200] =	vst v63  }
0x29e: {  	s31 =	simm.s32 $0xC200  }
0x29f: {  	[tilespmem:s31], [sflag:$0x2] =	stream.indirect_vreg.gather [hbm4b:s2+s3], $0x80, v3, vm0, $0xb8;
	[tilespmem:$0x1E200] =	vst v63  }
0x2a0: {  	s31 =	simm.s32 $0xCA00  }
0x2a1: {  	[tilespmem:s31], [sflag:$0x2] =	stream.indirect_vreg.gather [hbm4b:s5+s3], $0x80, v3, vm0, $0xb8;
	[tilespmem:$0x1E200] =	vst v63  }
0x2a2: {  	s31 =	simm.s32 $0xD200  }
0x2a3: {  	[tilespmem:s31], [sflag:$0x2] =	stream.indirect_vreg.gather [hbm4b:s6+s3], $0x80, v3, vm0, $0xb8;
	[tilespmem:$0x1E200] =	vst v63  }
0x2a4: {  	s31 =	simm.s32 $0xDA00  }
0x2a5: {  	[tilespmem:s31], [sflag:$0x2] =	stream.indirect_vreg.gather [hbm4b:s7+s3], $0x80, v3, vm0, $0xb8;
	[tilespmem:$0x1E200] =	vst v63  }
0x2a6: {  	v3 =	vld [tilespmem:$0x1A0];
	_ =	sdelay $0x4  }
0x2a7: {  	v57 =	vshll.u32 v3, $0x3  }
0x2a8: {  	v3 =	vand.u32 $0x7, v3;
	v4 =	vand.u32 $0xFFFFFFC0, v57  }
0x2a9: {  	v3 =	vor.u32 v3, v4  }
0x2aa: {  	v4 =	vperm.xlane v3, v0;
	_ =	sdelay $0x1  }
0x2ab: {  	v4 =	vadd.s32 v1, v4;
	_ =	sdelay $0x3  }
0x2ac: {  	s31 =	simm.s32 $0xE200  }
0x2ad: {  	[tilespmem:s31], [sflag:$0x2] =	stream.indirect_vreg.gather [hbm4b:s2+s3], $0x80, v4, vm0, $0xb8;
	[tilespmem:$0x1E200] =	vst v63  }
0x2ae: {  	v3 =	vperm.xlane v3, v2;
	s31 =	simm.s32 $0xEA00  }
0x2af: {  	[tilespmem:s31], [sflag:$0x2] =	stream.indirect_vreg.gather [hbm4b:s5+s3], $0x80, v4, vm0, $0xb8;
	[tilespmem:$0x1E200] =	vst v63  }
0x2b0: {  	v3 =	vadd.s32 v1, v3;
	s31 =	simm.s32 $0xF200  }
0x2b1: {  	[tilespmem:s31], [sflag:$0x2] =	stream.indirect_vreg.gather [hbm4b:s6+s3], $0x80, v4, vm0, $0xb8;
	[tilespmem:$0x1E200] =	vst v63  }
0x2b2: {  	s31 =	simm.s32 $0xFA00  }
0x2b3: {  	[tilespmem:s31], [sflag:$0x2] =	stream.indirect_vreg.gather [hbm4b:s7+s3], $0x80, v4, vm0, $0xb8;
	[tilespmem:$0x1E200] =	vst v63  }
0x2b4: {  	s31 =	simm.s32 $0x10200  }
0x2b5: {  	[tilespmem:s31], [sflag:$0x2] =	stream.indirect_vreg.gather [hbm4b:s2+s3], $0x80, v3, vm0, $0xb8;
	[tilespmem:$0x1E200] =	vst v63  }
0x2b6: {  	s31 =	simm.s32 $0x10A00  }
0x2b7: {  	[tilespmem:s31], [sflag:$0x2] =	stream.indirect_vreg.gather [hbm4b:s5+s3], $0x80, v3, vm0, $0xb8;
	[tilespmem:$0x1E200] =	vst v63  }
0x2b8: {  	s31 =	simm.s32 $0x11200  }
0x2b9: {  	[tilespmem:s31], [sflag:$0x2] =	stream.indirect_vreg.gather [hbm4b:s6+s3], $0x80, v3, vm0, $0xb8;
	[tilespmem:$0x1E200] =	vst v63  }
0x2ba: {  	s31 =	simm.s32 $0x11A00  }
0x2bb: {  	[tilespmem:s31], [sflag:$0x2] =	stream.indirect_vreg.gather [hbm4b:s7+s3], $0x80, v3, vm0, $0xb8;
	[tilespmem:$0x1E200] =	vst v63  }
0x2bc: {  	v3 =	vld.msk [tilespmem:$0x1B0], $0xff;
	_ =	sdelay $0x4  }
0x2bd: {  	v58 =	vshll.u32 v3, $0x3  }
0x2be: {  	v3 =	vand.u32 $0x7, v3;
	v4 =	vand.u32 $0xFFFFFFC0, v58  }
0x2bf: {  	v3 =	vor.u32 v3, v4  }
0x2c0: {  	v3 =	vperm.xlane v3, v0;
	_ =	sdelay $0x1  }
0x2c1: {  	v3 =	vadd.s32 v1, v3;
	_ =	sdelay $0x3  }
0x2c2: {  	s31 =	simm.s32 $0x12200  }
0x2c3: {  	[tilespmem:s31], [sflag:$0x2] =	stream.indirect_vreg.gather [hbm4b:s2+s3], $0x80, v3, vm0, $0xb8;
	[tilespmem:$0x1E200] =	vst v63  }
0x2c4: {  	s31 =	simm.s32 $0x12A00  }
0x2c5: {  	[tilespmem:s31], [sflag:$0x2] =	stream.indirect_vreg.gather [hbm4b:s5+s3], $0x80, v3, vm0, $0xb8;
	[tilespmem:$0x1E200] =	vst v63  }
0x2c6: {  	s31 =	simm.s32 $0x13200  }
0x2c7: {  	[tilespmem:s31], [sflag:$0x2] =	stream.indirect_vreg.gather [hbm4b:s6+s3], $0x80, v3, vm0, $0xb8;
	[tilespmem:$0x1E200] =	vst v63  }
0x2c8: {  	s31 =	simm.s32 $0x13A00  }
0x2c9: {  	[tilespmem:s31], [sflag:$0x2] =	stream.indirect_vreg.gather [hbm4b:s7+s3], $0x80, v3, vm0, $0xb8;
	[tilespmem:$0x1E200] =	vst v63  }
0x2ca: {  	_ =	swait.ge [sflag:s29], $0xA000  }
0x2cb: {  	[sflag:s29] =	ssyncset.done $0x0  }
0x2cc: {  	s31 =	rddreg [dreg:$0xc];
	[sflag:s29] =	ssyncadd.s32 $0xFFFF6000  }
0x2cd: {  	[hbm4b:s31+s3] =	stream.linear.scatter [tilespmem:s10], [sflag:$0x6], $0xA000, $0x38;
	[tilespmem:$0x1E200] =	vst v63  }
0x2ce: {  	_ =	swait.ge [sflag:s30], $0xA000  }
0x2cf: {  	[sflag:s30] =	ssyncset.done $0x0  }
0x2d0: {  	[sflag:s30] =	ssyncadd.s32 $0xFFFF6000  }
0x2d1: {  	v3 =	vld [tilespmem:$0x1B8];
	_ =	sdelay $0x4  }
0x2d2: {  	v59 =	vshll.u32 v3, $0x3  }
0x2d3: {  	v3 =	vand.u32 $0x7, v3;
	v4 =	vand.u32 $0xFFFFFFC0, v59  }
0x2d4: {  	v3 =	vor.u32 v3, v4  }
0x2d5: {  	v4 =	vperm.xlane v3, v0;
	_ =	sdelay $0x1  }
0x2d6: {  	v4 =	vadd.s32 v1, v4;
	_ =	sdelay $0x4  }
0x2d7: {  	[tilespmem:s10], [sflag:$0x3] =	stream.indirect_vreg.gather [hbm4b:s2+s3], $0x80, v4, vm0, $0xb8;
	[tilespmem:$0x1E200] =	vst v63  }
0x2d8: {  	s31 =	simm.s32 $0x14A00;
	v3 =	vperm.xlane v3, v2  }
0x2d9: {  	[tilespmem:s31], [sflag:$0x3] =	stream.indirect_vreg.gather [hbm4b:s5+s3], $0x80, v4, vm0, $0xb8;
	[tilespmem:$0x1E200] =	vst v63  }
0x2da: {  	v3 =	vadd.s32 v1, v3;
	s31 =	simm.s32 $0x15200  }
0x2db: {  	[tilespmem:s31], [sflag:$0x3] =	stream.indirect_vreg.gather [hbm4b:s6+s3], $0x80, v4, vm0, $0xb8;
	[tilespmem:$0x1E200] =	vst v63  }
0x2dc: {  	s31 =	simm.s32 $0x15A00  }
0x2dd: {  	[tilespmem:s31], [sflag:$0x3] =	stream.indirect_vreg.gather [hbm4b:s7+s3], $0x80, v4, vm0, $0xb8;
	[tilespmem:$0x1E200] =	vst v63  }
0x2de: {  	s31 =	simm.s32 $0x16200  }
0x2df: {  	[tilespmem:s31], [sflag:$0x3] =	stream.indirect_vreg.gather [hbm4b:s2+s3], $0x80, v3, vm0, $0xb8;
	[tilespmem:$0x1E200] =	vst v63  }
0x2e0: {  	s31 =	simm.s32 $0x16A00  }
0x2e1: {  	[tilespmem:s31], [sflag:$0x3] =	stream.indirect_vreg.gather [hbm4b:s5+s3], $0x80, v3, vm0, $0xb8;
	[tilespmem:$0x1E200] =	vst v63  }
0x2e2: {  	s31 =	simm.s32 $0x17200  }
0x2e3: {  	[tilespmem:s31], [sflag:$0x3] =	stream.indirect_vreg.gather [hbm4b:s6+s3], $0x80, v3, vm0, $0xb8;
	[tilespmem:$0x1E200] =	vst v63  }
0x2e4: {  	s31 =	simm.s32 $0x17A00  }
0x2e5: {  	[tilespmem:s31], [sflag:$0x3] =	stream.indirect_vreg.gather [hbm4b:s7+s3], $0x80, v3, vm0, $0xb8;
	[tilespmem:$0x1E200] =	vst v63  }
0x2e6: {  	v3 =	vld [tilespmem:$0x1C8];
	_ =	sdelay $0x4  }
0x2e7: {  	v60 =	vshll.u32 v3, $0x3  }
0x2e8: {  	v3 =	vand.u32 $0x7, v3;
	v4 =	vand.u32 $0xFFFFFFC0, v60  }
0x2e9: {  	v3 =	vor.u32 v3, v4  }
0x2ea: {  	v4 =	vperm.xlane v3, v0;
	_ =	sdelay $0x1  }
0x2eb: {  	v4 =	vadd.s32 v1, v4;
	_ =	sdelay $0x3  }
0x2ec: {  	s31 =	simm.s32 $0x18200  }
0x2ed: {  	[tilespmem:s31], [sflag:$0x3] =	stream.indirect_vreg.gather [hbm4b:s2+s3], $0x80, v4, vm0, $0xb8;
	[tilespmem:$0x1E200] =	vst v63  }
0x2ee: {  	v3 =	vperm.xlane v3, v2;
	s31 =	simm.s32 $0x18A00  }
0x2ef: {  	[tilespmem:s31], [sflag:$0x3] =	stream.indirect_vreg.gather [hbm4b:s5+s3], $0x80, v4, vm0, $0xb8;
	[tilespmem:$0x1E200] =	vst v63  }
0x2f0: {  	v3 =	vadd.s32 v1, v3;
	s31 =	simm.s32 $0x19200  }
0x2f1: {  	[tilespmem:s31], [sflag:$0x3] =	stream.indirect_vreg.gather [hbm4b:s6+s3], $0x80, v4, vm0, $0xb8;
	[tilespmem:$0x1E200] =	vst v63  }
0x2f2: {  	s31 =	simm.s32 $0x19A00  }
0x2f3: {  	[tilespmem:s31], [sflag:$0x3] =	stream.indirect_vreg.gather [hbm4b:s7+s3], $0x80, v4, vm0, $0xb8;
	[tilespmem:$0x1E200] =	vst v63  }
0x2f4: {  	s31 =	simm.s32 $0x1A200  }
0x2f5: {  	[tilespmem:s31], [sflag:$0x3] =	stream.indirect_vreg.gather [hbm4b:s2+s3], $0x80, v3, vm0, $0xb8;
	[tilespmem:$0x1E200] =	vst v63  }
0x2f6: {  	s31 =	simm.s32 $0x1AA00  }
0x2f7: {  	[tilespmem:s31], [sflag:$0x3] =	stream.indirect_vreg.gather [hbm4b:s5+s3], $0x80, v3, vm0, $0xb8;
	[tilespmem:$0x1E200] =	vst v63  }
0x2f8: {  	s31 =	simm.s32 $0x1B200  }
0x2f9: {  	[tilespmem:s31], [sflag:$0x3] =	stream.indirect_vreg.gather [hbm4b:s6+s3], $0x80, v3, vm0, $0xb8;
	[tilespmem:$0x1E200] =	vst v63  }
0x2fa: {  	s31 =	simm.s32 $0x1BA00  }
0x2fb: {  	[tilespmem:s31], [sflag:$0x3] =	stream.indirect_vreg.gather [hbm4b:s7+s3], $0x80, v3, vm0, $0xb8;
	[tilespmem:$0x1E200] =	vst v63  }
0x2fc: {  	v3 =	vld.msk [tilespmem:$0x1D8], $0xff;
	_ =	sdelay $0x4  }
0x2fd: {  	v61 =	vshll.u32 v3, $0x3  }
0x2fe: {  	v3 =	vand.u32 $0x7, v3;
	v4 =	vand.u32 $0xFFFFFFC0, v61  }
0x2ff: {  	v3 =	vor.u32 v3, v4  }
0x300: {  	v3 =	vperm.xlane v3, v0;
	_ =	sdelay $0x1  }
0x301: {  	v3 =	vadd.s32 v1, v3;
	_ =	sdelay $0x3  }
0x302: {  	s31 =	simm.s32 $0x1C200  }
0x303: {  	[tilespmem:s31], [sflag:$0x3] =	stream.indirect_vreg.gather [hbm4b:s2+s3], $0x80, v3, vm0, $0xb8;
	[tilespmem:$0x1E200] =	vst v63  }
0x304: {  	s31 =	simm.s32 $0x1CA00  }
0x305: {  	[tilespmem:s31], [sflag:$0x3] =	stream.indirect_vreg.gather [hbm4b:s5+s3], $0x80, v3, vm0, $0xb8;
	[tilespmem:$0x1E200] =	vst v63  }
0x306: {  	s31 =	simm.s32 $0x1D200  }
0x307: {  	[tilespmem:s31], [sflag:$0x3] =	stream.indirect_vreg.gather [hbm4b:s6+s3], $0x80, v3, vm0, $0xb8;
	[tilespmem:$0x1E200] =	vst v63  }
0x308: {  	s31 =	simm.s32 $0x1DA00  }
0x309: {  	[tilespmem:s31], [sflag:$0x3] =	stream.indirect_vreg.gather [hbm4b:s7+s3], $0x80, v3, vm0, $0xb8;
	[tilespmem:$0x1E200] =	vst v63  }
0x30a: {  	_ =	swait.ge [sflag:s0], $0xA000  }
0x30b: {  	[sflag:s0] =	ssyncset.done $0x0  }
0x30c: {  	s31 =	rddreg [dreg:$0xd];
	[sflag:s0] =	ssyncadd.s32 $0xFFFF6000  }
0x30d: {  	[hbm4b:s31+s3] =	stream.linear.scatter [tilespmem:s15], [sflag:$0x4], $0xA000, $0x38;
	[tilespmem:$0x1E200] =	vst v63  }
0x30e: {  	_ =	swait.ge [sflag:s4], $0xA000  }
0x30f: {  	[sflag:s4] =	ssyncset.done $0x0  }
0x310: {  	[sflag:s4] =	ssyncadd.s32 $0xFFFF6000  }
0x311: {  	v3 =	vld [tilespmem:$0x1E0];
	_ =	sdelay $0x4  }
0x312: {  	v62 =	vshll.u32 v3, $0x3  }
0x313: {  	v3 =	vand.u32 $0x7, v3;
	v4 =	vand.u32 $0xFFFFFFC0, v62  }
0x314: {  	v3 =	vor.u32 v3, v4  }
0x315: {  	v4 =	vperm.xlane v3, v0;
	_ =	sdelay $0x1  }
0x316: {  	v4 =	vadd.s32 v1, v4;
	_ =	sdelay $0x4  }
0x317: {  	[tilespmem:s15], [sflag:$0x1] =	stream.indirect_vreg.gather [hbm4b:s2+s3], $0x80, v4, vm0, $0xb8;
	[tilespmem:$0x1E200] =	vst v63  }
0x318: {  	s11 =	simm.s32 $0xA00;
	v3 =	vperm.xlane v3, v2  }
0x319: {  	[tilespmem:s11], [sflag:$0x1] =	stream.indirect_vreg.gather [hbm4b:s5+s3], $0x80, v4, vm0, $0xb8;
	[tilespmem:$0x1E200] =	vst v63  }
0x31a: {  	s19 =	simm.s32 $0x1200;
	v3 =	vadd.s32 v1, v3  }
0x31b: {  	[tilespmem:s19], [sflag:$0x1] =	stream.indirect_vreg.gather [hbm4b:s6+s3], $0x80, v4, vm0, $0xb8;
	[tilespmem:$0x1E200] =	vst v63  }
0x31c: {  	s19 =	simm.s32 $0x1A00  }
0x31d: {  	[tilespmem:s19], [sflag:$0x1] =	stream.indirect_vreg.gather [hbm4b:s7+s3], $0x80, v4, vm0, $0xb8;
	[tilespmem:$0x1E200] =	vst v63  }
0x31e: {  	s20 =	simm.s32 $0x2200  }
0x31f: {  	[tilespmem:s20], [sflag:$0x1] =	stream.indirect_vreg.gather [hbm4b:s2+s3], $0x80, v3, vm0, $0xb8;
	[tilespmem:$0x1E200] =	vst v63  }
0x320: {  	s24 =	simm.s32 $0x2A00  }
0x321: {  	[tilespmem:s24], [sflag:$0x1] =	stream.indirect_vreg.gather [hbm4b:s5+s3], $0x80, v3, vm0, $0xb8;
	[tilespmem:$0x1E200] =	vst v63  }
0x322: {  	s22 =	simm.s32 $0x3200  }
0x323: {  	[tilespmem:s22], [sflag:$0x1] =	stream.indirect_vreg.gather [hbm4b:s6+s3], $0x80, v3, vm0, $0xb8;
	[tilespmem:$0x1E200] =	vst v63  }
0x324: {  	s12 =	simm.s32 $0x3A00  }
0x325: {  	[tilespmem:s12], [sflag:$0x1] =	stream.indirect_vreg.gather [hbm4b:s7+s3], $0x80, v3, vm0, $0xb8;
	[tilespmem:$0x1E200] =	vst v63  }
0x326: {  	v3 =	vld [tilespmem:$0x1F0];
	_ =	sdelay $0x4  }
0x327: {  	v63 =	vshll.u32 v3, $0x3  }
0x328: {  	v3 =	vand.u32 $0x7, v3;
	v4 =	vand.u32 $0xFFFFFFC0, v63  }
0x329: {  	v3 =	vor.u32 v3, v4  }
0x32a: {  	v4 =	vperm.xlane v3, v0;
	_ =	sdelay $0x1  }
0x32b: {  	v4 =	vadd.s32 v1, v4;
	_ =	sdelay $0x3  }
0x32c: {  	s25 =	simm.s32 $0x4200  }
0x32d: {  	[tilespmem:s25], [sflag:$0x1] =	stream.indirect_vreg.gather [hbm4b:s2+s3], $0x80, v4, vm0, $0xb8;
	[tilespmem:$0x1E200] =	vst v63  }
0x32e: {  	s18 =	simm.s32 $0x4A00;
	v3 =	vperm.xlane v3, v2  }
0x32f: {  	[tilespmem:s18], [sflag:$0x1] =	stream.indirect_vreg.gather [hbm4b:s5+s3], $0x80, v4, vm0, $0xb8;
	[tilespmem:$0x1E200] =	vst v63  }
0x330: {  	s16 =	simm.s32 $0x5200;
	v3 =	vadd.s32 v1, v3  }
0x331: {  	[tilespmem:s16], [sflag:$0x1] =	stream.indirect_vreg.gather [hbm4b:s6+s3], $0x80, v4, vm0, $0xb8;
	[tilespmem:$0x1E200] =	vst v63  }
0x332: {  	s13 =	simm.s32 $0x5A00  }
0x333: {  	[tilespmem:s13], [sflag:$0x1] =	stream.indirect_vreg.gather [hbm4b:s7+s3], $0x80, v4, vm0, $0xb8;
	[tilespmem:$0x1E200] =	vst v63  }
0x334: {  	s14 =	simm.s32 $0x6200  }
0x335: {  	[tilespmem:s14], [sflag:$0x1] =	stream.indirect_vreg.gather [hbm4b:s2+s3], $0x80, v3, vm0, $0xb8;
	[tilespmem:$0x1E200] =	vst v63  }
0x336: {  	s17 =	simm.s32 $0x6A00  }
0x337: {  	[tilespmem:s17], [sflag:$0x1] =	stream.indirect_vreg.gather [hbm4b:s5+s3], $0x80, v3, vm0, $0xb8;
	[tilespmem:$0x1E200] =	vst v63  }
0x338: {  	s21 =	simm.s32 $0x7200  }
0x339: {  	[tilespmem:s21], [sflag:$0x1] =	stream.indirect_vreg.gather [hbm4b:s6+s3], $0x80, v3, vm0, $0xb8;
	[tilespmem:$0x1E200] =	vst v63  }
0x33a: {  	s23 =	simm.s32 $0x7A00  }
0x33b: {  	[tilespmem:s23], [sflag:$0x1] =	stream.indirect_vreg.gather [hbm4b:s7+s3], $0x80, v3, vm0, $0xb8;
	[tilespmem:$0x1E200] =	vst v63  }
0x33c: {  	_ =	swait.ge [sflag:s26], $0xA000  }
0x33d: {  	[sflag:s26] =	ssyncset.done $0x0  }
0x33e: {  	s24 =	rddreg [dreg:$0xe];
	[sflag:s26] =	ssyncadd.s32 $0xFFFF6000  }
0x33f: {  	[hbm4b:s24+s3] =	stream.linear.scatter [tilespmem:s9], [sflag:$0x5], $0xA000, $0x38;
	[tilespmem:$0x1E200] =	vst v63  }
0x340: {  	_ =	swait.ge [sflag:s29], $0xA000  }
0x341: {  	[sflag:s29] =	ssyncset.done $0x0  }
0x342: {  	s25 =	rddreg [dreg:$0xf];
	[sflag:s29] =	ssyncadd.s32 $0xFFFF6000  }
0x343: {  	[hbm4b:s25+s3] =	stream.linear.scatter [tilespmem:s10], [sflag:$0x6], $0xA000, $0x38;
	[tilespmem:$0x1E200] =	vst v63  }
0x344: {  	_ =	swait.ge [sflag:s0], $0x8000  }
0x345: {  	[sflag:s0] =	ssyncset.done $0x0  }
0x346: {  	s31 =	rddreg [dreg:$0x10];
	[sflag:s0] =	ssyncadd.s32 $0xFFFF8000  }
0x347: {  	[hbm4b:s31+s3] =	stream.linear.scatter [tilespmem:s15], [sflag:$0x4], $0x8000, $0x38;
	[tilespmem:$0x1E200] =	vst v63  }
0x348: {  	_ =	swait.ge [sflag:s28], $0xA000  }
0x349: {  	[sflag:s28] =	ssyncset.done $0x0  }
0x34a: {  	[sflag:s28] =	ssyncadd.s32 $0xFFFF6000  }
0x34b: {  	p0 =	sne.s32 s8, $0x1;
	_ =	swait.ge [sflag:s30], $0xA000  }
.Ltmp0:
0x34c: {  	[sflag:s30] =	ssyncset.done $0x0;
	(pc) =	sbr.rel @p0 .LBB2_1-.Ltmp0, $4  }
0x34d: {  	[sflag:s30] =	ssyncadd.s32 $0xFFFF6000  }
0x34e: {  	_ =	swait.ge [sflag:s4], $0x8000  }
0x34f: {  	[sflag:s4] =	ssyncset.done $0x0  }
0x350: {  	s8 =	sadd.s32 $0xFFFFFFFF, s8;
	[sflag:s4] =	ssyncadd.s32 $0xFFFF8000  }
0x351: {  	_ =	sfence.sel $0x180000  }
0x352: {  	[bflag:$0x0] =	sbarrier.arrive $0xFFFF  }
0x353: {  	_ =	strace $0x90000047  }
0x354: {  	s0 =	stileid.u32;
	[bflag:$0x2] =	sbarrier.arrive $0xFFFF  }
0x355: {  	p0 =	sne.s32 s0, $0x0;
	s0 =	rddreg [dreg:$0x3]  }
0x356: {  	s0 =	sadd.s32 @!p0 $0x100000, s0  }
0x357: {  	[sflag:s0] =	ssyncadd.tile.s32 @!p0 $0x1;
	_ =	shalt  }
.Lfunc_end2:
_tile_overlayer_lowered:
.L_overlay_start_2:
0x358: {  	(tag) =	ssettag $0x2  }
0x359: {  	s0 =	rddreg [dreg:$0x0];
	s2 =	stileid.u32  }
0x35a: {  	s1 =	rddreg [dreg:$0x1];
	p0 =	sne.s32 s2, $0x0  }
0x35b: {  	s3 =	rddreg [dreg:$0x2];
	[bflag:$0x3] =	sbarrier.arrive $0xFFFF;
	s2 =	simm.s32 @!p0 $0x1C07  }
0x35c: {  	[timem:s3], [sflag:s2] =	dma.local @!p0 [hbm:s0], s1  }
0x35d: {  	s0 =	simm.s32 @!p0 $0x7  }
0x35e: {  	_ =	swait.ge @!p0 [sflag:s0], s1  }
0x35f: {  	s1 =	ssub.s32 @!p0 $0x0, s1;
	[sflag:s0] =	ssyncset.done @!p0 $0x0  }
0x360: {  	[sflag:s0] =	ssyncadd.s32 @!p0 s1  }
0x361: {  	[bflag:$0x3] =	sbarrier.arrive $0xFFFF  }
0x362: {  	_ =	shalt  }

</sc_bundles>
